<compile_context>
chip_gen: v7x
topology: tpu7x:2x2x1
jax: 0.10.2.dev20260603
libtpu: 0.0.44.dev20260713+nightly
codegen_flags: <defaults>
</compile_context>

<pallas_src>
import jax
import jax.numpy as jnp
from jax import lax
from jax.experimental import pallas as pl
from jax.experimental.pallas import tpu as pltpu
from jax.experimental.pallas import tpu_sc as plsc

_N = 10000
_NP = 10240
_E = 320000
_C = 64
_CC = 32
_K = 10
_ALPHA = 0.1
_NC = 2
_NS = 16
_NW = _NC * _NS
_RPT = _NP // _NS
_CH = 512
_NB = 2

_EPW = _E // _NW
_PADW = 240
_NCHD = (_EPW + _PADW) // _CH

_EPT = _E // _NS
_PADT = 480
_NCHT = (_EPT + _PADT) // _CH
_NJT = _NCHT // _NB
_UR = 160
_NU = _RPT // _UR


def _sc_mesh():
    return plsc.VectorSubcoreMesh(
        core_axis_name="c", subcore_axis_name="s",
        num_cores=_NC, num_subcores=_NS)


def _deg_body(d_hbm, zd_hbm, ones_hbm, out_hbm, didx_a, ones_v, deg_sh,
              semi, sems):
    c = lax.axis_index("c")
    t = lax.axis_index("s")
    ci = pltpu.async_copy(d_hbm.at[c * _NS + t], didx_a, semi)
    co = pltpu.async_copy(ones_hbm, ones_v, semi)
    pltpu.sync_copy(zd_hbm.at[pl.ds(t * _RPT, _RPT)],
                    deg_sh.at[pl.ds(t * _RPT, _RPT)])
    ci.wait()
    co.wait()
    plsc.subcore_barrier()

    def body(i, carry):
        pltpu.async_copy(ones_v, deg_sh.at[didx_a.at[i, 0]], sems, add=True)
        return carry

    lax.fori_loop(0, _NCHD, body, 0)

    def drain(i, carry):
        pltpu.make_async_copy(ones_v, deg_sh.at[didx_a.at[0, 0]], sems).wait()
        return carry

    lax.fori_loop(0, _NCHD, drain, 0)
    plsc.subcore_barrier()
    pltpu.sync_copy(deg_sh.at[pl.ds(t * _RPT, _RPT)],
                    out_hbm.at[c, pl.ds(t * _RPT, _RPT)])


def _deg_call(d2, zd, ones):
    f = pl.kernel(
        _deg_body,
        out_type=jax.ShapeDtypeStruct((_NC, _NP), jnp.float32),
        mesh=_sc_mesh(),
        scratch_types=[
            pltpu.VMEM((_NCHD, 1, _CH), jnp.int32),
            pltpu.VMEM((_CH,), jnp.float32),
            pltpu.VMEM_SHARED((_NP,), jnp.float32),
            pltpu.SemaphoreType.DMA,
            pltpu.SemaphoreType.DMA,
        ],
    )
    return f(d2, zd, ones)


def _mega_body(g0_hbm, r1_hbm, rh0_hbm, c1e_hbm, cle_hbm, s_hbm, d_hbm,
               zc_hbm, gw_hbm, ho_hbm,
               sidx_a, didx_a, rb0, rb1, c1t, gbuf, abuf, rbuf,
               acc_sh, semi, sg0, sg1, ss0, ss1,
               su0, su1, su2, su3):
    c = lax.axis_index("c")
    t = lax.axis_index("s")
    rows = (rb0, rb1)
    semg = (sg0, sg1)
    sems = (ss0, ss1)
    rbase = t * _RPT
    cols = pl.ds(c * _CC, _CC)
    ci = pltpu.async_copy(s_hbm.at[t], sidx_a, semi)
    ci2 = pltpu.async_copy(d_hbm.at[t], didx_a, semi)
    pltpu.sync_copy(zc_hbm.at[pl.ds(rbase, _RPT)],
                    acc_sh.at[pl.ds(rbase, _RPT)])
    pltpu.sync_copy(c1e_hbm.at[pl.ds(rbase, _RPT)], c1t)
    for u in range(_NU):
        rr = rbase + u * _UR
        pltpu.sync_copy(g0_hbm.at[pl.ds(rr, _UR), cols], gbuf)
        pltpu.sync_copy(gbuf, gw_hbm.at[c, pl.ds(rr, _UR)])
    ci.wait()
    ci2.wait()
    plsc.subcore_barrier()

    def hop(k, carry):
        def body(j, carry2):
            base = j * _NB
            for b in range(_NB):
                @pl.when(j > 0)
                def _():
                    pltpu.make_async_copy(
                        rows[b], acc_sh.at[didx_a.at[base + b, 0]],
                        sems[b]).wait()
                pltpu.async_copy(
                    gw_hbm.at[c].at[sidx_a.at[base + b, 0]], rows[b], semg[b])
            for b in range(_NB):
                pltpu.make_async_copy(
                    gw_hbm.at[c].at[sidx_a.at[base + b, 0]], rows[b],
                    semg[b]).wait()
                pltpu.async_copy(
                    rows[b], acc_sh.at[didx_a.at[base + b, 0]], sems[b],
                    add=True)
            return carry2

        lax.fori_loop(0, _NJT, body, 0)
        @pl.when(k == _K - 1)
        def _():
            pltpu.sync_copy(cle_hbm.at[pl.ds(rbase, _RPT)], c1t)
        pltpu.async_copy(gw_hbm.at[c, pl.ds(rbase, _UR)], gbuf, su0)

        @pl.when(k < _K - 1)
        def _():
            pltpu.async_copy(r1_hbm.at[pl.ds(rbase, _UR), cols], rbuf, su2)

        @pl.when(k == _K - 1)
        def _():
            pltpu.async_copy(rh0_hbm.at[pl.ds(rbase, _UR), cols], rbuf, su2)

        for b in range(_NB):
            pltpu.make_async_copy(
                rows[b], acc_sh.at[didx_a.at[0, 0]], sems[b]).wait()
        plsc.subcore_barrier()

        def upd(u, carry2):
            rr = rbase + u * _UR

            @pl.when(u > 0)
            def _():
                pltpu.async_copy(gw_hbm.at[c, pl.ds(rr, _UR)], gbuf, su0)

                @pl.when(k < _K - 1)
                def _():
                    pltpu.async_copy(
                        r1_hbm.at[pl.ds(rr, _UR), cols], rbuf, su2)

                @pl.when(k == _K - 1)
                def _():
                    pltpu.async_copy(
                        rh0_hbm.at[pl.ds(rr, _UR), cols], rbuf, su2)

            ca = pltpu.async_copy(acc_sh.at[pl.ds(rr, _UR)], abuf, su1)
            cg = pltpu.make_async_copy(gw_hbm.at[c, pl.ds(rr, _UR)], gbuf,
                                       su0)
            cg.wait()
            ca.wait()
            cz = pltpu.async_copy(zc_hbm.at[pl.ds(rr, _UR)],
                                  acc_sh.at[pl.ds(rr, _UR)], su3)
            pltpu.make_async_copy(
                r1_hbm.at[pl.ds(rr, _UR), cols], rbuf, su2).wait()

            def vrow(r, carry3):
                for v2 in range(_CC // 16):
                    sl = pl.ds(v2 * 16, 16)
                    cv = c1t[u * _UR + r, sl]
                    gbuf[r, sl] = (cv * (gbuf[r, sl] + abuf[r, sl])
                                   + _ALPHA * rbuf[r, sl])
                return carry3

            lax.fori_loop(0, _UR, vrow, 0)

            @pl.when(k < _K - 1)
            def _():
                pltpu.sync_copy(gbuf, gw_hbm.at[c, pl.ds(rr, _UR)])

            @pl.when(k == _K - 1)
            def _():
                pltpu.sync_copy(gbuf, ho_hbm.at[pl.ds(rr, _UR), cols])

            cz.wait()
            return carry2

        lax.fori_loop(0, _NU, upd, 0)
        plsc.subcore_barrier()
        return carry

    lax.fori_loop(0, _K, hop, 0)


def _mega_call(g0f, h0, c1e, cle, s3, d3, zc):
    f = pl.kernel(
        _mega_body,
        out_type=[jax.ShapeDtypeStruct((_NC, _NP, _CC), jnp.float32),
                  jax.ShapeDtypeStruct((_NP, _C), jnp.float32)],
        mesh=_sc_mesh(),
        compiler_params=pltpu.CompilerParams(use_tc_tiling_on_sc=False),
        scratch_types=[
            pltpu.VMEM((_NCHT, 1, _CH), jnp.int32),
            pltpu.VMEM((_NCHT, 1, _CH), jnp.int32),
            pltpu.VMEM((_CH, _CC), jnp.float32),
            pltpu.VMEM((_CH, _CC), jnp.float32),
            pltpu.VMEM((_RPT, _CC), jnp.float32),
            pltpu.VMEM((_UR, _CC), jnp.float32),
            pltpu.VMEM((_UR, _CC), jnp.float32),
            pltpu.VMEM((_UR, _CC), jnp.float32),
            pltpu.VMEM_SHARED((_NP, _CC), jnp.float32),
        ] + [pltpu.SemaphoreType.DMA] * 9,
    )
    return f(g0f, g0f, h0, c1e, cle, s3, d3, zc)[1]


def _mlp_body(x_ref, w1_ref, b1_ref, w2_ref, b2_ref, degp_ref,
              h0_ref, g0f_ref, c1e_ref, cle_ref):
    x = x_ref[...]
    h = jnp.dot(x, w1_ref[...].T, preferred_element_type=jnp.float32)
    h = jnp.maximum(h + b1_ref[...], 0.0)
    h0 = jnp.dot(h, w2_ref[...].T, preferred_element_type=jnp.float32)
    h0 = h0 + b2_ref[...]
    deg = 1.0 + degp_ref[:, 0:1] + degp_ref[:, 1:2]
    dinv = lax.rsqrt(deg)
    h0_ref[...] = h0
    g0f_ref[...] = h0 * dinv
    ones_row = jnp.ones((1, _CC), jnp.float32)
    c1e_ref[...] = ((1.0 - _ALPHA) * dinv * dinv) * ones_row
    cle_ref[...] = ((1.0 - _ALPHA) * dinv) * ones_row


def kernel(x, edge_index, W1, b1, W2, b2):
    s = edge_index[0]
    d = edge_index[1]
    padw = jnp.broadcast_to(_N + jnp.arange(_PADW, dtype=jnp.int32),
                            (_NW, _PADW))
    d2 = jnp.concatenate([d.reshape(_NW, _EPW), padw],
                         axis=1).reshape(_NW, _NCHD, 1, _CH)
    padt = jnp.broadcast_to(
        _N + (jnp.arange(_PADT, dtype=jnp.int32) % _PADW), (_NS, _PADT))
    s3 = jnp.concatenate([s.reshape(_NS, _EPT), padt],
                         axis=1).reshape(_NS, _NCHT, 1, _CH)
    d3 = jnp.concatenate([d.reshape(_NS, _EPT), padt],
                         axis=1).reshape(_NS, _NCHT, 1, _CH)
    xp = jnp.pad(x, ((0, _NP - _N), (0, 0)))
    zd = jnp.zeros((_NP,), jnp.float32)
    zc = jnp.zeros((_NP, _CC), jnp.float32)
    ones = jnp.ones((_CH,), jnp.float32)

    degp = jnp.transpose(_deg_call(d2, zd, ones))

    h0, g0f, c1e, cle = pl.pallas_call(
        _mlp_body,
        out_shape=[
            jax.ShapeDtypeStruct((_NP, _C), jnp.float32),
            jax.ShapeDtypeStruct((_NP, _C), jnp.float32),
            jax.ShapeDtypeStruct((_NP, _CC), jnp.float32),
            jax.ShapeDtypeStruct((_NP, _CC), jnp.float32),
        ],
    )(xp, W1, b1.reshape(1, -1), W2, b2.reshape(1, -1), degp)

    ho = _mega_call(g0f, h0, c1e, cle, s3, d3, zc)
    return ho[:_N]

# --- scband reference (transcript-rebuilt; emitter-appended) ---
"""Pipeline reference for scband-appnp-net-60859686584878 (READ-ONLY COPY).

The authoritative reference and input builder live on the scoring server;
editing this copy changes nothing except your own understanding.
"""

import jax, jax.numpy as jnp
import numpy as np

N = 10000
E = 320000
D = 128
H = 128
C = 64
K = 10
ALPHA = 0.1


def setup_inputs(seed: int = 0) -> dict:
    key = jax.random.key(seed)
    k1, k2, k3, k4, k5 = jax.random.split(key, 5)
    x = jax.random.normal(k1, (N, D), dtype=jnp.float32)
    edge_index = jax.random.randint(k2, (2, E), 0, N, dtype=jnp.int32)
    # Linear params (PyTorch convention: y = x @ W.T + b)
    W1 = jax.random.normal(k3, (H, D), dtype=jnp.float32) * (1.0 / np.sqrt(D))
    b1 = jnp.zeros((H,), dtype=jnp.float32)
    W2 = jax.random.normal(k4, (C, H), dtype=jnp.float32) * (1.0 / np.sqrt(H))
    b2 = jnp.zeros((C,), dtype=jnp.float32)
    return {"x": x, "edge_index": edge_index, "W1": W1, "b1": b1, "W2": W2, "b2": b2}


def reference(x, edge_index, W1, b1, W2, b2):
    # dropout is identity in eval mode
    h = jax.nn.relu(x @ W1.T + b1)
    h = h @ W2.T + b2
    # APPNP propagation with GCN normalization + self loops
    src = edge_index[0]
    dst = edge_index[1]
    loop = jnp.arange(N, dtype=src.dtype)
    s = jnp.concatenate([src, loop])
    d = jnp.concatenate([dst, loop])
    deg = jnp.zeros((N,), dtype=h.dtype).at[d].add(1.0)
    dinv = jnp.where(deg > 0, 1.0 / jnp.sqrt(deg), 0.0)
    norm = dinv[s] * dinv[d]
    h0 = h
    for _ in range(K):
        msg = h[s] * norm[:, None]
        agg = jnp.zeros_like(h).at[d].add(msg)
        h = (1.0 - ALPHA) * agg + ALPHA * h0
    return h

if __name__ == "__main__":
    import jax
    _d = setup_inputs()
    print(jax.jit(kernel)(*tuple(_d.values())))

</pallas_src>

<mosaic_0001>
#map = affine_map<(d0, d1) -> (0, 0)>
#map1 = affine_map<(d0, d1) -> (0, 0, 0, 0)>
#map2 = affine_map<(d0, d1) -> (0, 0, 0)>
module attributes {stable_mosaic.version = 14 : i64} {
  func.func @_mega_body(%arg0: i32, %arg1: i32, %arg2: memref<10240x64xf32, #tpu.memory_space<hbm>>, %arg3: memref<10240x64xf32, #tpu.memory_space<hbm>>, %arg4: memref<10240x64xf32, #tpu.memory_space<hbm>>, %arg5: memref<10240x32xf32, #tpu.memory_space<hbm>>, %arg6: memref<10240x32xf32, #tpu.memory_space<hbm>>, %arg7: memref<16x40x1x512xi32, #tpu.memory_space<hbm>>, %arg8: memref<16x40x1x512xi32, #tpu.memory_space<hbm>>, %arg9: memref<10240x32xf32, #tpu.memory_space<hbm>>, %arg10: memref<2x10240x32xf32, #tpu.memory_space<hbm>>, %arg11: memref<10240x64xf32, #tpu.memory_space<hbm>>, %arg12: memref<40x1x512xi32, #tpu.memory_space<vmem>>, %arg13: memref<40x1x512xi32, #tpu.memory_space<vmem>>, %arg14: memref<512x32xf32, #tpu.memory_space<vmem>>, %arg15: memref<512x32xf32, #tpu.memory_space<vmem>>, %arg16: memref<640x32xf32, #tpu.memory_space<vmem>>, %arg17: memref<160x32xf32, #tpu.memory_space<vmem>>, %arg18: memref<160x32xf32, #tpu.memory_space<vmem>>, %arg19: memref<160x32xf32, #tpu.memory_space<vmem>>, %arg20: memref<10240x32xf32, #tpu.memory_space<vmem_shared>>, %arg21: memref<!tpu.dma_semaphore, #tpu.memory_space<semaphore_mem>>, %arg22: memref<!tpu.dma_semaphore, #tpu.memory_space<semaphore_mem>>, %arg23: memref<!tpu.dma_semaphore, #tpu.memory_space<semaphore_mem>>, %arg24: memref<!tpu.dma_semaphore, #tpu.memory_space<semaphore_mem>>, %arg25: memref<!tpu.dma_semaphore, #tpu.memory_space<semaphore_mem>>, %arg26: memref<!tpu.dma_semaphore, #tpu.memory_space<semaphore_mem>>, %arg27: memref<!tpu.dma_semaphore, #tpu.memory_space<semaphore_mem>>, %arg28: memref<!tpu.dma_semaphore, #tpu.memory_space<semaphore_mem>>, %arg29: memref<!tpu.dma_semaphore, #tpu.memory_space<semaphore_mem>>) attributes {dimension_semantics = [#tpu.dimension_semantics<core_parallel>, #tpu.dimension_semantics<subcore_parallel>], iteration_bounds = array<i64: 2, 16>, scalar_prefetch = 0 : i64, scratch_operands = 18 : i64, tpu.core_type = #tpu.core_type<sc_vector_subcore>, window_params = [{transform_indices = #map}, {transform_indices = #map}, {transform_indices = #map}, {transform_indices = #map}, {transform_indices = #map}, {transform_indices = #map1}, {transform_indices = #map1}, {transform_indices = #map}, {transform_indices = #map2}, {transform_indices = #map}]} {
    %mul3A = arith.constant 640 : i32
    %mul3A_0 = arith.muli %arg1, %mul3A : i32
    %mul3A_1 = arith.constant 32 : i32
    %mul3A_2 = arith.muli %arg0, %mul3A_1 : i32
    %dma_start3A = arith.constant 0 : i32
    %dma_start3A_3 = arith.constant 0 : i32
    %dma_start3A_4 = arith.constant 0 : i32
    %dma_start3A_5 = tpu.memref_slice %arg7[%arg1, %dma_start3A, %dma_start3A_3, %dma_start3A_4] : memref<16x40x1x512xi32, #tpu.memory_space<hbm>> -> memref<1x40x1x512xi32, #tpu.memory_space<hbm>>
    %dma_start3A_6 = tpu.memref_squeeze %dma_start3A_5 : memref<1x40x1x512xi32, #tpu.memory_space<hbm>> -> memref<40x1x512xi32, #tpu.memory_space<hbm>>
    %dma_start3A_7 = arith.constant 0 : i32
    %dma_start3A_8 = arith.constant 0 : i32
    %dma_start3A_9 = arith.constant 0 : i32
    %dma_start3A_10 = tpu.memref_slice %arg7[%arg1, %dma_start3A_7, %dma_start3A_8, %dma_start3A_9] : memref<16x40x1x512xi32, #tpu.memory_space<hbm>> -> memref<1x40x1x512xi32, #tpu.memory_space<hbm>>
    %dma_start3A_11 = tpu.memref_squeeze %dma_start3A_10 : memref<1x40x1x512xi32, #tpu.memory_space<hbm>> -> memref<40x1x512xi32, #tpu.memory_space<hbm>>
    tpu.enqueue_dma source(%dma_start3A_11 : memref<40x1x512xi32, #tpu.memory_space<hbm>>) target(%arg12 : memref<40x1x512xi32, #tpu.memory_space<vmem>>) target_semaphore(%arg21 : memref<!tpu.dma_semaphore, #tpu.memory_space<semaphore_mem>>)
    %dma_start3A_12 = arith.constant 0 : i32
    %dma_start3A_13 = arith.constant 0 : i32
    %dma_start3A_14 = arith.constant 0 : i32
    %dma_start3A_15 = tpu.memref_slice %arg8[%arg1, %dma_start3A_12, %dma_start3A_13, %dma_start3A_14] : memref<16x40x1x512xi32, #tpu.memory_space<hbm>> -> memref<1x40x1x512xi32, #tpu.memory_space<hbm>>
    %dma_start3A_16 = tpu.memref_squeeze %dma_start3A_15 : memref<1x40x1x512xi32, #tpu.memory_space<hbm>> -> memref<40x1x512xi32, #tpu.memory_space<hbm>>
    %dma_start3A_17 = arith.constant 0 : i32
    %dma_start3A_18 = arith.constant 0 : i32
    %dma_start3A_19 = arith.constant 0 : i32
    %dma_start3A_20 = tpu.memref_slice %arg8[%arg1, %dma_start3A_17, %dma_start3A_18, %dma_start3A_19] : memref<16x40x1x512xi32, #tpu.memory_space<hbm>> -> memref<1x40x1x512xi32, #tpu.memory_space<hbm>>
    %dma_start3A_21 = tpu.memref_squeeze %dma_start3A_20 : memref<1x40x1x512xi32, #tpu.memory_space<hbm>> -> memref<40x1x512xi32, #tpu.memory_space<hbm>>
    tpu.enqueue_dma source(%dma_start3A_21 : memref<40x1x512xi32, #tpu.memory_space<hbm>>) target(%arg13 : memref<40x1x512xi32, #tpu.memory_space<vmem>>) target_semaphore(%arg21 : memref<!tpu.dma_semaphore, #tpu.memory_space<semaphore_mem>>)
    "tpu.region"() ({
      %run_scoped3A = tpu.sem_alloc : memref<!tpu.dma_semaphore, #tpu.memory_space<semaphore_mem>>
      %dma_start3A_53 = arith.constant 0 : i32
      %dma_start3A_54 = tpu.memref_slice %arg20[%mul3A_0, %dma_start3A_53] : memref<10240x32xf32, #tpu.memory_space<vmem_shared>> -> memref<640x32xf32, #tpu.memory_space<vmem_shared>>
      %dma_start3A_55 = arith.constant 0 : i32
      %dma_start3A_56 = tpu.memref_slice %arg9[%mul3A_0, %dma_start3A_55] : memref<10240x32xf32, #tpu.memory_space<hbm>> -> memref<640x32xf32, #tpu.memory_space<hbm>>
      tpu.enqueue_dma source(%dma_start3A_56 : memref<640x32xf32, #tpu.memory_space<hbm>>) target(%dma_start3A_54 : memref<640x32xf32, #tpu.memory_space<vmem_shared>>) target_semaphore(%run_scoped3A : memref<!tpu.dma_semaphore, #tpu.memory_space<semaphore_mem>>)
      %dma_wait3A_57 = arith.constant 0 : i32
      %dma_wait3A_58 = tpu.memref_slice %arg20[%mul3A_0, %dma_wait3A_57] : memref<10240x32xf32, #tpu.memory_space<vmem_shared>> -> memref<640x32xf32, #tpu.memory_space<vmem_shared>>
      %dma_wait3A_59 = arith.constant 0 : i32
      %dma_wait3A_60 = tpu.memref_slice %arg9[%mul3A_0, %dma_wait3A_59] : memref<10240x32xf32, #tpu.memory_space<hbm>> -> memref<640x32xf32, #tpu.memory_space<hbm>>
      tpu.wait_dma2 semaphore(%run_scoped3A : memref<!tpu.dma_semaphore, #tpu.memory_space<semaphore_mem>>) src(%dma_wait3A_60 : memref<640x32xf32, #tpu.memory_space<hbm>>) dst(%dma_wait3A_58 : memref<640x32xf32, #tpu.memory_space<vmem_shared>>)
      tpu.yield
    }) : () -> ()
    "tpu.region"() ({
      %run_scoped3A = tpu.sem_alloc : memref<!tpu.dma_semaphore, #tpu.memory_space<semaphore_mem>>
      %dma_start3A_53 = arith.constant 0 : i32
      %dma_start3A_54 = tpu.memref_slice %arg5[%mul3A_0, %dma_start3A_53] : memref<10240x32xf32, #tpu.memory_space<hbm>> -> memref<640x32xf32, #tpu.memory_space<hbm>>
      %dma_start3A_55 = arith.constant 0 : i32
      %dma_start3A_56 = tpu.memref_slice %arg5[%mul3A_0, %dma_start3A_55] : memref<10240x32xf32, #tpu.memory_space<hbm>> -> memref<640x32xf32, #tpu.memory_space<hbm>>
      tpu.enqueue_dma source(%dma_start3A_56 : memref<640x32xf32, #tpu.memory_space<hbm>>) target(%arg16 : memref<640x32xf32, #tpu.memory_space<vmem>>) target_semaphore(%run_scoped3A : memref<!tpu.dma_semaphore, #tpu.memory_space<semaphore_mem>>)
      %dma_wait3A_57 = arith.constant 0 : i32
      %dma_wait3A_58 = tpu.memref_slice %arg5[%mul3A_0, %dma_wait3A_57] : memref<10240x32xf32, #tpu.memory_space<hbm>> -> memref<640x32xf32, #tpu.memory_space<hbm>>
      %dma_wait3A_59 = arith.constant 0 : i32
      %dma_wait3A_60 = tpu.memref_slice %arg5[%mul3A_0, %dma_wait3A_59] : memref<10240x32xf32, #tpu.memory_space<hbm>> -> memref<640x32xf32, #tpu.memory_space<hbm>>
      tpu.wait_dma2 semaphore(%run_scoped3A : memref<!tpu.dma_semaphore, #tpu.memory_space<semaphore_mem>>) src(%dma_wait3A_60 : memref<640x32xf32, #tpu.memory_space<hbm>>) dst(%arg16 : memref<640x32xf32, #tpu.memory_space<vmem>>)
      tpu.yield
    }) : () -> ()
    %add3A = arith.constant 0 : i32
    %add3A_22 = arith.addi %mul3A_0, %add3A : i32
    "tpu.region"() ({
      %run_scoped3A = tpu.sem_alloc : memref<!tpu.dma_semaphore, #tpu.memory_space<semaphore_mem>>
      %dma_start3A_53 = tpu.memref_slice %arg2[%add3A_22, %mul3A_2] : memref<10240x64xf32, #tpu.memory_space<hbm>> -> memref<160x32xf32, #tpu.memory_space<hbm>>
      %dma_start3A_54 = tpu.memref_slice %arg2[%add3A_22, %mul3A_2] : memref<10240x64xf32, #tpu.memory_space<hbm>> -> memref<160x32xf32, #tpu.memory_space<hbm>>
      tpu.enqueue_dma source(%dma_start3A_54 : memref<160x32xf32, #tpu.memory_space<hbm>>) target(%arg17 : memref<160x32xf32, #tpu.memory_space<vmem>>) target_semaphore(%run_scoped3A : memref<!tpu.dma_semaphore, #tpu.memory_space<semaphore_mem>>)
      %dma_wait3A_55 = tpu.memref_slice %arg2[%add3A_22, %mul3A_2] : memref<10240x64xf32, #tpu.memory_space<hbm>> -> memref<160x32xf32, #tpu.memory_space<hbm>>
      %dma_wait3A_56 = tpu.memref_slice %arg2[%add3A_22, %mul3A_2] : memref<10240x64xf32, #tpu.memory_space<hbm>> -> memref<160x32xf32, #tpu.memory_space<hbm>>
      tpu.wait_dma2 semaphore(%run_scoped3A : memref<!tpu.dma_semaphore, #tpu.memory_space<semaphore_mem>>) src(%dma_wait3A_56 : memref<160x32xf32, #tpu.memory_space<hbm>>) dst(%arg17 : memref<160x32xf32, #tpu.memory_space<vmem>>)
      tpu.yield
    }) : () -> ()
    "tpu.region"() ({
      %run_scoped3A = tpu.sem_alloc : memref<!tpu.dma_semaphore, #tpu.memory_space<semaphore_mem>>
      %dma_start3A_53 = arith.constant 0 : i32
      %dma_start3A_54 = tpu.memref_slice %arg10[%arg0, %add3A_22, %dma_start3A_53] : memref<2x10240x32xf32, #tpu.memory_space<hbm>> -> memref<1x160x32xf32, #tpu.memory_space<hbm>>
      %dma_start3A_55 = tpu.memref_squeeze %dma_start3A_54 : memref<1x160x32xf32, #tpu.memory_space<hbm>> -> memref<160x32xf32, #tpu.memory_space<hbm>>
      %dma_start3A_56 = arith.constant 0 : i32
      %dma_start3A_57 = tpu.memref_slice %arg10[%arg0, %add3A_22, %dma_start3A_56] : memref<2x10240x32xf32, #tpu.memory_space<hbm>> -> memref<1x160x32xf32, #tpu.memory_space<hbm>>
      %dma_start3A_58 = tpu.memref_squeeze %dma_start3A_57 : memref<1x160x32xf32, #tpu.memory_space<hbm>> -> memref<160x32xf32, #tpu.memory_space<hbm>>
      tpu.enqueue_dma source(%arg17 : memref<160x32xf32, #tpu.memory_space<vmem>>) target(%dma_start3A_58 : memref<160x32xf32, #tpu.memory_space<hbm>>) target_semaphore(%run_scoped3A : memref<!tpu.dma_semaphore, #tpu.memory_space<semaphore_mem>>)
      %dma_wait3A_59 = arith.constant 0 : i32
      %dma_wait3A_60 = tpu.memref_slice %arg10[%arg0, %add3A_22, %dma_wait3A_59] : memref<2x10240x32xf32, #tpu.memory_space<hbm>> -> memref<1x160x32xf32, #tpu.memory_space<hbm>>
      %dma_wait3A_61 = tpu.memref_squeeze %dma_wait3A_60 : memref<1x160x32xf32, #tpu.memory_space<hbm>> -> memref<160x32xf32, #tpu.memory_space<hbm>>
      %dma_wait3A_62 = arith.constant 0 : i32
      %dma_wait3A_63 = tpu.memref_slice %arg10[%arg0, %add3A_22, %dma_wait3A_62] : memref<2x10240x32xf32, #tpu.memory_space<hbm>> -> memref<1x160x32xf32, #tpu.memory_space<hbm>>
      %dma_wait3A_64 = tpu.memref_squeeze %dma_wait3A_63 : memref<1x160x32xf32, #tpu.memory_space<hbm>> -> memref<160x32xf32, #tpu.memory_space<hbm>>
      tpu.wait_dma2 semaphore(%run_scoped3A : memref<!tpu.dma_semaphore, #tpu.memory_space<semaphore_mem>>) src(%arg17 : memref<160x32xf32, #tpu.memory_space<vmem>>) dst(%dma_wait3A_64 : memref<160x32xf32, #tpu.memory_space<hbm>>)
      tpu.yield
    }) : () -> ()
    %add3A_23 = arith.constant 160 : i32
    %add3A_24 = arith.addi %mul3A_0, %add3A_23 : i32
    "tpu.region"() ({
      %run_scoped3A = tpu.sem_alloc : memref<!tpu.dma_semaphore, #tpu.memory_space<semaphore_mem>>
      %dma_start3A_53 = tpu.memref_slice %arg2[%add3A_24, %mul3A_2] : memref<10240x64xf32, #tpu.memory_space<hbm>> -> memref<160x32xf32, #tpu.memory_space<hbm>>
      %dma_start3A_54 = tpu.memref_slice %arg2[%add3A_24, %mul3A_2] : memref<10240x64xf32, #tpu.memory_space<hbm>> -> memref<160x32xf32, #tpu.memory_space<hbm>>
      tpu.enqueue_dma source(%dma_start3A_54 : memref<160x32xf32, #tpu.memory_space<hbm>>) target(%arg17 : memref<160x32xf32, #tpu.memory_space<vmem>>) target_semaphore(%run_scoped3A : memref<!tpu.dma_semaphore, #tpu.memory_space<semaphore_mem>>)
      %dma_wait3A_55 = tpu.memref_slice %arg2[%add3A_24, %mul3A_2] : memref<10240x64xf32, #tpu.memory_space<hbm>> -> memref<160x32xf32, #tpu.memory_space<hbm>>
      %dma_wait3A_56 = tpu.memref_slice %arg2[%add3A_24, %mul3A_2] : memref<10240x64xf32, #tpu.memory_space<hbm>> -> memref<160x32xf32, #tpu.memory_space<hbm>>
      tpu.wait_dma2 semaphore(%run_scoped3A : memref<!tpu.dma_semaphore, #tpu.memory_space<semaphore_mem>>) src(%dma_wait3A_56 : memref<160x32xf32, #tpu.memory_space<hbm>>) dst(%arg17 : memref<160x32xf32, #tpu.memory_space<vmem>>)
      tpu.yield
    }) : () -> ()
    "tpu.region"() ({
      %run_scoped3A = tpu.sem_alloc : memref<!tpu.dma_semaphore, #tpu.memory_space<semaphore_mem>>
      %dma_start3A_53 = arith.constant 0 : i32
      %dma_start3A_54 = tpu.memref_slice %arg10[%arg0, %add3A_24, %dma_start3A_53] : memref<2x10240x32xf32, #tpu.memory_space<hbm>> -> memref<1x160x32xf32, #tpu.memory_space<hbm>>
      %dma_start3A_55 = tpu.memref_squeeze %dma_start3A_54 : memref<1x160x32xf32, #tpu.memory_space<hbm>> -> memref<160x32xf32, #tpu.memory_space<hbm>>
      %dma_start3A_56 = arith.constant 0 : i32
      %dma_start3A_57 = tpu.memref_slice %arg10[%arg0, %add3A_24, %dma_start3A_56] : memref<2x10240x32xf32, #tpu.memory_space<hbm>> -> memref<1x160x32xf32, #tpu.memory_space<hbm>>
      %dma_start3A_58 = tpu.memref_squeeze %dma_start3A_57 : memref<1x160x32xf32, #tpu.memory_space<hbm>> -> memref<160x32xf32, #tpu.memory_space<hbm>>
      tpu.enqueue_dma source(%arg17 : memref<160x32xf32, #tpu.memory_space<vmem>>) target(%dma_start3A_58 : memref<160x32xf32, #tpu.memory_space<hbm>>) target_semaphore(%run_scoped3A : memref<!tpu.dma_semaphore, #tpu.memory_space<semaphore_mem>>)
      %dma_wait3A_59 = arith.constant 0 : i32
      %dma_wait3A_60 = tpu.memref_slice %arg10[%arg0, %add3A_24, %dma_wait3A_59] : memref<2x10240x32xf32, #tpu.memory_space<hbm>> -> memref<1x160x32xf32, #tpu.memory_space<hbm>>
      %dma_wait3A_61 = tpu.memref_squeeze %dma_wait3A_60 : memref<1x160x32xf32, #tpu.memory_space<hbm>> -> memref<160x32xf32, #tpu.memory_space<hbm>>
      %dma_wait3A_62 = arith.constant 0 : i32
      %dma_wait3A_63 = tpu.memref_slice %arg10[%arg0, %add3A_24, %dma_wait3A_62] : memref<2x10240x32xf32, #tpu.memory_space<hbm>> -> memref<1x160x32xf32, #tpu.memory_space<hbm>>
      %dma_wait3A_64 = tpu.memref_squeeze %dma_wait3A_63 : memref<1x160x32xf32, #tpu.memory_space<hbm>> -> memref<160x32xf32, #tpu.memory_space<hbm>>
      tpu.wait_dma2 semaphore(%run_scoped3A : memref<!tpu.dma_semaphore, #tpu.memory_space<semaphore_mem>>) src(%arg17 : memref<160x32xf32, #tpu.memory_space<vmem>>) dst(%dma_wait3A_64 : memref<160x32xf32, #tpu.memory_space<hbm>>)
      tpu.yield
    }) : () -> ()
    %add3A_25 = arith.constant 320 : i32
    %add3A_26 = arith.addi %mul3A_0, %add3A_25 : i32
    "tpu.region"() ({
      %run_scoped3A = tpu.sem_alloc : memref<!tpu.dma_semaphore, #tpu.memory_space<semaphore_mem>>
      %dma_start3A_53 = tpu.memref_slice %arg2[%add3A_26, %mul3A_2] : memref<10240x64xf32, #tpu.memory_space<hbm>> -> memref<160x32xf32, #tpu.memory_space<hbm>>
      %dma_start3A_54 = tpu.memref_slice %arg2[%add3A_26, %mul3A_2] : memref<10240x64xf32, #tpu.memory_space<hbm>> -> memref<160x32xf32, #tpu.memory_space<hbm>>
      tpu.enqueue_dma source(%dma_start3A_54 : memref<160x32xf32, #tpu.memory_space<hbm>>) target(%arg17 : memref<160x32xf32, #tpu.memory_space<vmem>>) target_semaphore(%run_scoped3A : memref<!tpu.dma_semaphore, #tpu.memory_space<semaphore_mem>>)
      %dma_wait3A_55 = tpu.memref_slice %arg2[%add3A_26, %mul3A_2] : memref<10240x64xf32, #tpu.memory_space<hbm>> -> memref<160x32xf32, #tpu.memory_space<hbm>>
      %dma_wait3A_56 = tpu.memref_slice %arg2[%add3A_26, %mul3A_2] : memref<10240x64xf32, #tpu.memory_space<hbm>> -> memref<160x32xf32, #tpu.memory_space<hbm>>
      tpu.wait_dma2 semaphore(%run_scoped3A : memref<!tpu.dma_semaphore, #tpu.memory_space<semaphore_mem>>) src(%dma_wait3A_56 : memref<160x32xf32, #tpu.memory_space<hbm>>) dst(%arg17 : memref<160x32xf32, #tpu.memory_space<vmem>>)
      tpu.yield
    }) : () -> ()
    "tpu.region"() ({
      %run_scoped3A = tpu.sem_alloc : memref<!tpu.dma_semaphore, #tpu.memory_space<semaphore_mem>>
      %dma_start3A_53 = arith.constant 0 : i32
      %dma_start3A_54 = tpu.memref_slice %arg10[%arg0, %add3A_26, %dma_start3A_53] : memref<2x10240x32xf32, #tpu.memory_space<hbm>> -> memref<1x160x32xf32, #tpu.memory_space<hbm>>
      %dma_start3A_55 = tpu.memref_squeeze %dma_start3A_54 : memref<1x160x32xf32, #tpu.memory_space<hbm>> -> memref<160x32xf32, #tpu.memory_space<hbm>>
      %dma_start3A_56 = arith.constant 0 : i32
      %dma_start3A_57 = tpu.memref_slice %arg10[%arg0, %add3A_26, %dma_start3A_56] : memref<2x10240x32xf32, #tpu.memory_space<hbm>> -> memref<1x160x32xf32, #tpu.memory_space<hbm>>
      %dma_start3A_58 = tpu.memref_squeeze %dma_start3A_57 : memref<1x160x32xf32, #tpu.memory_space<hbm>> -> memref<160x32xf32, #tpu.memory_space<hbm>>
      tpu.enqueue_dma source(%arg17 : memref<160x32xf32, #tpu.memory_space<vmem>>) target(%dma_start3A_58 : memref<160x32xf32, #tpu.memory_space<hbm>>) target_semaphore(%run_scoped3A : memref<!tpu.dma_semaphore, #tpu.memory_space<semaphore_mem>>)
      %dma_wait3A_59 = arith.constant 0 : i32
      %dma_wait3A_60 = tpu.memref_slice %arg10[%arg0, %add3A_26, %dma_wait3A_59] : memref<2x10240x32xf32, #tpu.memory_space<hbm>> -> memref<1x160x32xf32, #tpu.memory_space<hbm>>
      %dma_wait3A_61 = tpu.memref_squeeze %dma_wait3A_60 : memref<1x160x32xf32, #tpu.memory_space<hbm>> -> memref<160x32xf32, #tpu.memory_space<hbm>>
      %dma_wait3A_62 = arith.constant 0 : i32
      %dma_wait3A_63 = tpu.memref_slice %arg10[%arg0, %add3A_26, %dma_wait3A_62] : memref<2x10240x32xf32, #tpu.memory_space<hbm>> -> memref<1x160x32xf32, #tpu.memory_space<hbm>>
      %dma_wait3A_64 = tpu.memref_squeeze %dma_wait3A_63 : memref<1x160x32xf32, #tpu.memory_space<hbm>> -> memref<160x32xf32, #tpu.memory_space<hbm>>
      tpu.wait_dma2 semaphore(%run_scoped3A : memref<!tpu.dma_semaphore, #tpu.memory_space<semaphore_mem>>) src(%arg17 : memref<160x32xf32, #tpu.memory_space<vmem>>) dst(%dma_wait3A_64 : memref<160x32xf32, #tpu.memory_space<hbm>>)
      tpu.yield
    }) : () -> ()
    %add3A_27 = arith.constant 480 : i32
    %add3A_28 = arith.addi %mul3A_0, %add3A_27 : i32
    "tpu.region"() ({
      %run_scoped3A = tpu.sem_alloc : memref<!tpu.dma_semaphore, #tpu.memory_space<semaphore_mem>>
      %dma_start3A_53 = tpu.memref_slice %arg2[%add3A_28, %mul3A_2] : memref<10240x64xf32, #tpu.memory_space<hbm>> -> memref<160x32xf32, #tpu.memory_space<hbm>>
      %dma_start3A_54 = tpu.memref_slice %arg2[%add3A_28, %mul3A_2] : memref<10240x64xf32, #tpu.memory_space<hbm>> -> memref<160x32xf32, #tpu.memory_space<hbm>>
      tpu.enqueue_dma source(%dma_start3A_54 : memref<160x32xf32, #tpu.memory_space<hbm>>) target(%arg17 : memref<160x32xf32, #tpu.memory_space<vmem>>) target_semaphore(%run_scoped3A : memref<!tpu.dma_semaphore, #tpu.memory_space<semaphore_mem>>)
      %dma_wait3A_55 = tpu.memref_slice %arg2[%add3A_28, %mul3A_2] : memref<10240x64xf32, #tpu.memory_space<hbm>> -> memref<160x32xf32, #tpu.memory_space<hbm>>
      %dma_wait3A_56 = tpu.memref_slice %arg2[%add3A_28, %mul3A_2] : memref<10240x64xf32, #tpu.memory_space<hbm>> -> memref<160x32xf32, #tpu.memory_space<hbm>>
      tpu.wait_dma2 semaphore(%run_scoped3A : memref<!tpu.dma_semaphore, #tpu.memory_space<semaphore_mem>>) src(%dma_wait3A_56 : memref<160x32xf32, #tpu.memory_space<hbm>>) dst(%arg17 : memref<160x32xf32, #tpu.memory_space<vmem>>)
      tpu.yield
    }) : () -> ()
    "tpu.region"() ({
      %run_scoped3A = tpu.sem_alloc : memref<!tpu.dma_semaphore, #tpu.memory_space<semaphore_mem>>
      %dma_start3A_53 = arith.constant 0 : i32
      %dma_start3A_54 = tpu.memref_slice %arg10[%arg0, %add3A_28, %dma_start3A_53] : memref<2x10240x32xf32, #tpu.memory_space<hbm>> -> memref<1x160x32xf32, #tpu.memory_space<hbm>>
      %dma_start3A_55 = tpu.memref_squeeze %dma_start3A_54 : memref<1x160x32xf32, #tpu.memory_space<hbm>> -> memref<160x32xf32, #tpu.memory_space<hbm>>
      %dma_start3A_56 = arith.constant 0 : i32
      %dma_start3A_57 = tpu.memref_slice %arg10[%arg0, %add3A_28, %dma_start3A_56] : memref<2x10240x32xf32, #tpu.memory_space<hbm>> -> memref<1x160x32xf32, #tpu.memory_space<hbm>>
      %dma_start3A_58 = tpu.memref_squeeze %dma_start3A_57 : memref<1x160x32xf32, #tpu.memory_space<hbm>> -> memref<160x32xf32, #tpu.memory_space<hbm>>
      tpu.enqueue_dma source(%arg17 : memref<160x32xf32, #tpu.memory_space<vmem>>) target(%dma_start3A_58 : memref<160x32xf32, #tpu.memory_space<hbm>>) target_semaphore(%run_scoped3A : memref<!tpu.dma_semaphore, #tpu.memory_space<semaphore_mem>>)
      %dma_wait3A_59 = arith.constant 0 : i32
      %dma_wait3A_60 = tpu.memref_slice %arg10[%arg0, %add3A_28, %dma_wait3A_59] : memref<2x10240x32xf32, #tpu.memory_space<hbm>> -> memref<1x160x32xf32, #tpu.memory_space<hbm>>
      %dma_wait3A_61 = tpu.memref_squeeze %dma_wait3A_60 : memref<1x160x32xf32, #tpu.memory_space<hbm>> -> memref<160x32xf32, #tpu.memory_space<hbm>>
      %dma_wait3A_62 = arith.constant 0 : i32
      %dma_wait3A_63 = tpu.memref_slice %arg10[%arg0, %add3A_28, %dma_wait3A_62] : memref<2x10240x32xf32, #tpu.memory_space<hbm>> -> memref<1x160x32xf32, #tpu.memory_space<hbm>>
      %dma_wait3A_64 = tpu.memref_squeeze %dma_wait3A_63 : memref<1x160x32xf32, #tpu.memory_space<hbm>> -> memref<160x32xf32, #tpu.memory_space<hbm>>
      tpu.wait_dma2 semaphore(%run_scoped3A : memref<!tpu.dma_semaphore, #tpu.memory_space<semaphore_mem>>) src(%arg17 : memref<160x32xf32, #tpu.memory_space<vmem>>) dst(%dma_wait3A_64 : memref<160x32xf32, #tpu.memory_space<hbm>>)
      tpu.yield
    }) : () -> ()
    %dma_wait3A = arith.constant 0 : i32
    %dma_wait3A_29 = arith.constant 0 : i32
    %dma_wait3A_30 = arith.constant 0 : i32
    %dma_wait3A_31 = tpu.memref_slice %arg7[%arg1, %dma_wait3A, %dma_wait3A_29, %dma_wait3A_30] : memref<16x40x1x512xi32, #tpu.memory_space<hbm>> -> memref<1x40x1x512xi32, #tpu.memory_space<hbm>>
    %dma_wait3A_32 = tpu.memref_squeeze %dma_wait3A_31 : memref<1x40x1x512xi32, #tpu.memory_space<hbm>> -> memref<40x1x512xi32, #tpu.memory_space<hbm>>
    %dma_wait3A_33 = arith.constant 0 : i32
    %dma_wait3A_34 = arith.constant 0 : i32
    %dma_wait3A_35 = arith.constant 0 : i32
    %dma_wait3A_36 = tpu.memref_slice %arg7[%arg1, %dma_wait3A_33, %dma_wait3A_34, %dma_wait3A_35] : memref<16x40x1x512xi32, #tpu.memory_space<hbm>> -> memref<1x40x1x512xi32, #tpu.memory_space<hbm>>
    %dma_wait3A_37 = tpu.memref_squeeze %dma_wait3A_36 : memref<1x40x1x512xi32, #tpu.memory_space<hbm>> -> memref<40x1x512xi32, #tpu.memory_space<hbm>>
    tpu.wait_dma2 semaphore(%arg21 : memref<!tpu.dma_semaphore, #tpu.memory_space<semaphore_mem>>) src(%dma_wait3A_37 : memref<40x1x512xi32, #tpu.memory_space<hbm>>) dst(%arg12 : memref<40x1x512xi32, #tpu.memory_space<vmem>>)
    %dma_wait3A_38 = arith.constant 0 : i32
    %dma_wait3A_39 = arith.constant 0 : i32
    %dma_wait3A_40 = arith.constant 0 : i32
    %dma_wait3A_41 = tpu.memref_slice %arg8[%arg1, %dma_wait3A_38, %dma_wait3A_39, %dma_wait3A_40] : memref<16x40x1x512xi32, #tpu.memory_space<hbm>> -> memref<1x40x1x512xi32, #tpu.memory_space<hbm>>
    %dma_wait3A_42 = tpu.memref_squeeze %dma_wait3A_41 : memref<1x40x1x512xi32, #tpu.memory_space<hbm>> -> memref<40x1x512xi32, #tpu.memory_space<hbm>>
    %dma_wait3A_43 = arith.constant 0 : i32
    %dma_wait3A_44 = arith.constant 0 : i32
    %dma_wait3A_45 = arith.constant 0 : i32
    %dma_wait3A_46 = tpu.memref_slice %arg8[%arg1, %dma_wait3A_43, %dma_wait3A_44, %dma_wait3A_45] : memref<16x40x1x512xi32, #tpu.memory_space<hbm>> -> memref<1x40x1x512xi32, #tpu.memory_space<hbm>>
    %dma_wait3A_47 = tpu.memref_squeeze %dma_wait3A_46 : memref<1x40x1x512xi32, #tpu.memory_space<hbm>> -> memref<40x1x512xi32, #tpu.memory_space<hbm>>
    tpu.wait_dma2 semaphore(%arg21 : memref<!tpu.dma_semaphore, #tpu.memory_space<semaphore_mem>>) src(%dma_wait3A_47 : memref<40x1x512xi32, #tpu.memory_space<hbm>>) dst(%arg13 : memref<40x1x512xi32, #tpu.memory_space<vmem>>)
    %barrier3A = arith.constant 0 : index
    tpu.barrier barrier_id(%barrier3A)
    %scan3A = arith.constant 0 : i32
    %scan3A_48 = arith.constant 0 : i32
    %scan3A_49 = arith.constant 10 : i32
    %scan3A_50 = arith.addi %scan3A_48, %scan3A_49 : i32
    %scan3A_51 = arith.constant 1 : i32
    scf.for %scan3A_53 = %scan3A_48 to %scan3A_50 step %scan3A_51  : i32 {
      %scan3A_54 = arith.constant 0 : i32
      %scan3A_55 = arith.constant 0 : i32
      %scan3A_56 = arith.constant 20 : i32
      %scan3A_57 = arith.addi %scan3A_55, %scan3A_56 : i32
      %scan3A_58 = arith.constant 1 : i32
      scf.for %scan3A_101 = %scan3A_55 to %scan3A_57 step %scan3A_58  : i32 {
        %mul3A_102 = arith.constant 2 : i32
        %mul3A_103 = arith.muli %scan3A_101, %mul3A_102 : i32
        %gt3A = arith.constant 0 : i32
        %gt3A_104 = arith.cmpi sgt, %scan3A_101, %gt3A : i32
        %convert_element_type3A_105 = arith.extui %gt3A_104 : i1 to i32
        %cond3A_106 = arith.constant 0 : i32
        %cond3A_107 = arith.cmpi ne, %convert_element_type3A_105, %cond3A_106 : i32
        scf.if %cond3A_107 {
          %add3A_183 = arith.constant 0 : i32
          %add3A_184 = arith.addi %mul3A_103, %add3A_183 : i32
          %dma_wait3A_185 = arith.constant 0 : i32
          %dma_wait3A_186 = arith.constant 0 : i32
          %dma_wait3A_187 = tpu.memref_slice %arg13[%add3A_184, %dma_wait3A_185, %dma_wait3A_186] : memref<40x1x512xi32, #tpu.memory_space<vmem>> -> memref<1x1x512xi32, #tpu.memory_space<vmem>>
          %dma_wait3A_188 = tpu.memref_squeeze %dma_wait3A_187 : memref<1x1x512xi32, #tpu.memory_space<vmem>> -> memref<512xi32, #tpu.memory_space<vmem>>
          %dma_wait3A_189 = arith.constant 0 : i32
          %dma_wait3A_190 = arith.constant 0 : i32
          %dma_wait3A_191 = tpu.memref_slice %arg20[%dma_wait3A_189, %dma_wait3A_190] : memref<10240x32xf32, #tpu.memory_space<vmem_shared>> -> memref<10240x32xf32, #tpu.memory_space<vmem_shared>>
          tpu.wait_indirect_dma semaphore(%arg24 : memref<!tpu.dma_semaphore, #tpu.memory_space<semaphore_mem>>) src(%arg14 : memref<512x32xf32, #tpu.memory_space<vmem>>) dst(%dma_wait3A_191 : memref<10240x32xf32, #tpu.memory_space<vmem_shared>>)
        } else {
        }
        %add3A_108 = arith.constant 0 : i32
        %add3A_109 = arith.addi %mul3A_103, %add3A_108 : i32
        %dma_start3A_110 = arith.constant 0 : i32
        %dma_start3A_111 = arith.constant 0 : i32
        %dma_start3A_112 = tpu.memref_slice %arg12[%add3A_109, %dma_start3A_110, %dma_start3A_111] : memref<40x1x512xi32, #tpu.memory_space<vmem>> -> memref<1x1x512xi32, #tpu.memory_space<vmem>>
        %dma_start3A_113 = tpu.memref_squeeze %dma_start3A_112 : memref<1x1x512xi32, #tpu.memory_space<vmem>> -> memref<512xi32, #tpu.memory_space<vmem>>
        %dma_start3A_114 = arith.constant 0 : i32
        %dma_start3A_115 = arith.constant 0 : i32
        %dma_start3A_116 = tpu.memref_slice %arg10[%arg0, %dma_start3A_114, %dma_start3A_115] : memref<2x10240x32xf32, #tpu.memory_space<hbm>> -> memref<1x10240x32xf32, #tpu.memory_space<hbm>>
        %dma_start3A_117 = tpu.memref_squeeze %dma_start3A_116 : memref<1x10240x32xf32, #tpu.memory_space<hbm>> -> memref<10240x32xf32, #tpu.memory_space<hbm>>
        %dma_start3A_118 = arith.constant 0 : i32
        %dma_start3A_119 = arith.constant 0 : i32
        %dma_start3A_120 = tpu.memref_slice %dma_start3A_117[%dma_start3A_118, %dma_start3A_119] : memref<10240x32xf32, #tpu.memory_space<hbm>> -> memref<10240x32xf32, #tpu.memory_space<hbm>>
        tpu.enqueue_indirect_dma source(%dma_start3A_120 : memref<10240x32xf32, #tpu.memory_space<hbm>>) target(%arg14 : memref<512x32xf32, #tpu.memory_space<vmem>>) offsets(%dma_start3A_113 : memref<512xi32, #tpu.memory_space<vmem>>) semaphore(%arg22 : memref<!tpu.dma_semaphore, #tpu.memory_space<semaphore_mem>>)
        %gt3A_121 = arith.constant 0 : i32
        %gt3A_122 = arith.cmpi sgt, %scan3A_101, %gt3A_121 : i32
        %convert_element_type3A_123 = arith.extui %gt3A_122 : i1 to i32
        %cond3A_124 = arith.constant 0 : i32
        %cond3A_125 = arith.cmpi ne, %convert_element_type3A_123, %cond3A_124 : i32
        scf.if %cond3A_125 {
          %add3A_183 = arith.constant 1 : i32
          %add3A_184 = arith.addi %mul3A_103, %add3A_183 : i32
          %dma_wait3A_185 = arith.constant 0 : i32
          %dma_wait3A_186 = arith.constant 0 : i32
          %dma_wait3A_187 = tpu.memref_slice %arg13[%add3A_184, %dma_wait3A_185, %dma_wait3A_186] : memref<40x1x512xi32, #tpu.memory_space<vmem>> -> memref<1x1x512xi32, #tpu.memory_space<vmem>>
          %dma_wait3A_188 = tpu.memref_squeeze %dma_wait3A_187 : memref<1x1x512xi32, #tpu.memory_space<vmem>> -> memref<512xi32, #tpu.memory_space<vmem>>
          %dma_wait3A_189 = arith.constant 0 : i32
          %dma_wait3A_190 = arith.constant 0 : i32
          %dma_wait3A_191 = tpu.memref_slice %arg20[%dma_wait3A_189, %dma_wait3A_190] : memref<10240x32xf32, #tpu.memory_space<vmem_shared>> -> memref<10240x32xf32, #tpu.memory_space<vmem_shared>>
          tpu.wait_indirect_dma semaphore(%arg25 : memref<!tpu.dma_semaphore, #tpu.memory_space<semaphore_mem>>) src(%arg15 : memref<512x32xf32, #tpu.memory_space<vmem>>) dst(%dma_wait3A_191 : memref<10240x32xf32, #tpu.memory_space<vmem_shared>>)
        } else {
        }
        %add3A_126 = arith.constant 1 : i32
        %add3A_127 = arith.addi %mul3A_103, %add3A_126 : i32
        %dma_start3A_128 = arith.constant 0 : i32
        %dma_start3A_129 = arith.constant 0 : i32
        %dma_start3A_130 = tpu.memref_slice %arg12[%add3A_127, %dma_start3A_128, %dma_start3A_129] : memref<40x1x512xi32, #tpu.memory_space<vmem>> -> memref<1x1x512xi32, #tpu.memory_space<vmem>>
        %dma_start3A_131 = tpu.memref_squeeze %dma_start3A_130 : memref<1x1x512xi32, #tpu.memory_space<vmem>> -> memref<512xi32, #tpu.memory_space<vmem>>
        %dma_start3A_132 = arith.constant 0 : i32
        %dma_start3A_133 = arith.constant 0 : i32
        %dma_start3A_134 = tpu.memref_slice %arg10[%arg0, %dma_start3A_132, %dma_start3A_133] : memref<2x10240x32xf32, #tpu.memory_space<hbm>> -> memref<1x10240x32xf32, #tpu.memory_space<hbm>>
        %dma_start3A_135 = tpu.memref_squeeze %dma_start3A_134 : memref<1x10240x32xf32, #tpu.memory_space<hbm>> -> memref<10240x32xf32, #tpu.memory_space<hbm>>
        %dma_start3A_136 = arith.constant 0 : i32
        %dma_start3A_137 = arith.constant 0 : i32
        %dma_start3A_138 = tpu.memref_slice %dma_start3A_135[%dma_start3A_136, %dma_start3A_137] : memref<10240x32xf32, #tpu.memory_space<hbm>> -> memref<10240x32xf32, #tpu.memory_space<hbm>>
        tpu.enqueue_indirect_dma source(%dma_start3A_138 : memref<10240x32xf32, #tpu.memory_space<hbm>>) target(%arg15 : memref<512x32xf32, #tpu.memory_space<vmem>>) offsets(%dma_start3A_131 : memref<512xi32, #tpu.memory_space<vmem>>) semaphore(%arg23 : memref<!tpu.dma_semaphore, #tpu.memory_space<semaphore_mem>>)
        %add3A_139 = arith.constant 0 : i32
        %add3A_140 = arith.addi %mul3A_103, %add3A_139 : i32
        %dma_wait3A_141 = arith.constant 0 : i32
        %dma_wait3A_142 = arith.constant 0 : i32
        %dma_wait3A_143 = tpu.memref_slice %arg12[%add3A_140, %dma_wait3A_141, %dma_wait3A_142] : memref<40x1x512xi32, #tpu.memory_space<vmem>> -> memref<1x1x512xi32, #tpu.memory_space<vmem>>
        %dma_wait3A_144 = tpu.memref_squeeze %dma_wait3A_143 : memref<1x1x512xi32, #tpu.memory_space<vmem>> -> memref<512xi32, #tpu.memory_space<vmem>>
        %dma_wait3A_145 = arith.constant 0 : i32
        %dma_wait3A_146 = arith.constant 0 : i32
        %dma_wait3A_147 = tpu.memref_slice %arg10[%arg0, %dma_wait3A_145, %dma_wait3A_146] : memref<2x10240x32xf32, #tpu.memory_space<hbm>> -> memref<1x10240x32xf32, #tpu.memory_space<hbm>>
        %dma_wait3A_148 = tpu.memref_squeeze %dma_wait3A_147 : memref<1x10240x32xf32, #tpu.memory_space<hbm>> -> memref<10240x32xf32, #tpu.memory_space<hbm>>
        %dma_wait3A_149 = arith.constant 0 : i32
        %dma_wait3A_150 = arith.constant 0 : i32
        %dma_wait3A_151 = tpu.memref_slice %dma_wait3A_148[%dma_wait3A_149, %dma_wait3A_150] : memref<10240x32xf32, #tpu.memory_space<hbm>> -> memref<10240x32xf32, #tpu.memory_space<hbm>>
        tpu.wait_indirect_dma semaphore(%arg22 : memref<!tpu.dma_semaphore, #tpu.memory_space<semaphore_mem>>) src(%dma_wait3A_151 : memref<10240x32xf32, #tpu.memory_space<hbm>>) dst(%arg14 : memref<512x32xf32, #tpu.memory_space<vmem>>)
        %add3A_152 = arith.constant 0 : i32
        %add3A_153 = arith.addi %mul3A_103, %add3A_152 : i32
        %dma_start3A_154 = arith.constant 0 : i32
        %dma_start3A_155 = arith.constant 0 : i32
        %dma_start3A_156 = tpu.memref_slice %arg13[%add3A_153, %dma_start3A_154, %dma_start3A_155] : memref<40x1x512xi32, #tpu.memory_space<vmem>> -> memref<1x1x512xi32, #tpu.memory_space<vmem>>
        %dma_start3A_157 = tpu.memref_squeeze %dma_start3A_156 : memref<1x1x512xi32, #tpu.memory_space<vmem>> -> memref<512xi32, #tpu.memory_space<vmem>>
        %dma_start3A_158 = arith.constant 0 : i32
        %dma_start3A_159 = arith.constant 0 : i32
        %dma_start3A_160 = tpu.memref_slice %arg20[%dma_start3A_158, %dma_start3A_159] : memref<10240x32xf32, #tpu.memory_space<vmem_shared>> -> memref<10240x32xf32, #tpu.memory_space<vmem_shared>>
        tpu.enqueue_indirect_dma source(%arg14 : memref<512x32xf32, #tpu.memory_space<vmem>>) target(%dma_start3A_160 : memref<10240x32xf32, #tpu.memory_space<vmem_shared>>) offsets(%dma_start3A_157 : memref<512xi32, #tpu.memory_space<vmem>>) semaphore(%arg24 : memref<!tpu.dma_semaphore, #tpu.memory_space<semaphore_mem>>) {add = true}
        %add3A_161 = arith.constant 1 : i32
        %add3A_162 = arith.addi %mul3A_103, %add3A_161 : i32
        %dma_wait3A_163 = arith.constant 0 : i32
        %dma_wait3A_164 = arith.constant 0 : i32
        %dma_wait3A_165 = tpu.memref_slice %arg12[%add3A_162, %dma_wait3A_163, %dma_wait3A_164] : memref<40x1x512xi32, #tpu.memory_space<vmem>> -> memref<1x1x512xi32, #tpu.memory_space<vmem>>
        %dma_wait3A_166 = tpu.memref_squeeze %dma_wait3A_165 : memref<1x1x512xi32, #tpu.memory_space<vmem>> -> memref<512xi32, #tpu.memory_space<vmem>>
        %dma_wait3A_167 = arith.constant 0 : i32
        %dma_wait3A_168 = arith.constant 0 : i32
        %dma_wait3A_169 = tpu.memref_slice %arg10[%arg0, %dma_wait3A_167, %dma_wait3A_168] : memref<2x10240x32xf32, #tpu.memory_space<hbm>> -> memref<1x10240x32xf32, #tpu.memory_space<hbm>>
        %dma_wait3A_170 = tpu.memref_squeeze %dma_wait3A_169 : memref<1x10240x32xf32, #tpu.memory_space<hbm>> -> memref<10240x32xf32, #tpu.memory_space<hbm>>
        %dma_wait3A_171 = arith.constant 0 : i32
        %dma_wait3A_172 = arith.constant 0 : i32
        %dma_wait3A_173 = tpu.memref_slice %dma_wait3A_170[%dma_wait3A_171, %dma_wait3A_172] : memref<10240x32xf32, #tpu.memory_space<hbm>> -> memref<10240x32xf32, #tpu.memory_space<hbm>>
        tpu.wait_indirect_dma semaphore(%arg23 : memref<!tpu.dma_semaphore, #tpu.memory_space<semaphore_mem>>) src(%dma_wait3A_173 : memref<10240x32xf32, #tpu.memory_space<hbm>>) dst(%arg15 : memref<512x32xf32, #tpu.memory_space<vmem>>)
        %add3A_174 = arith.constant 1 : i32
        %add3A_175 = arith.addi %mul3A_103, %add3A_174 : i32
        %dma_start3A_176 = arith.constant 0 : i32
        %dma_start3A_177 = arith.constant 0 : i32
        %dma_start3A_178 = tpu.memref_slice %arg13[%add3A_175, %dma_start3A_176, %dma_start3A_177] : memref<40x1x512xi32, #tpu.memory_space<vmem>> -> memref<1x1x512xi32, #tpu.memory_space<vmem>>
        %dma_start3A_179 = tpu.memref_squeeze %dma_start3A_178 : memref<1x1x512xi32, #tpu.memory_space<vmem>> -> memref<512xi32, #tpu.memory_space<vmem>>
        %dma_start3A_180 = arith.constant 0 : i32
        %dma_start3A_181 = arith.constant 0 : i32
        %dma_start3A_182 = tpu.memref_slice %arg20[%dma_start3A_180, %dma_start3A_181] : memref<10240x32xf32, #tpu.memory_space<vmem_shared>> -> memref<10240x32xf32, #tpu.memory_space<vmem_shared>>
        tpu.enqueue_indirect_dma source(%arg15 : memref<512x32xf32, #tpu.memory_space<vmem>>) target(%dma_start3A_182 : memref<10240x32xf32, #tpu.memory_space<vmem_shared>>) offsets(%dma_start3A_179 : memref<512xi32, #tpu.memory_space<vmem>>) semaphore(%arg25 : memref<!tpu.dma_semaphore, #tpu.memory_space<semaphore_mem>>) {add = true}
      }
      %scan3A_59 = arith.constant 20 : i32
      %eq3A = arith.constant 9 : i32
      %eq3A_60 = arith.cmpi eq, %scan3A_53, %eq3A : i32
      %convert_element_type3A = arith.extui %eq3A_60 : i1 to i32
      %cond3A = arith.constant 0 : i32
      %cond3A_61 = arith.cmpi ne, %convert_element_type3A, %cond3A : i32
      scf.if %cond3A_61 {
        "tpu.region"() ({
          %run_scoped3A = tpu.sem_alloc : memref<!tpu.dma_semaphore, #tpu.memory_space<semaphore_mem>>
          %dma_start3A_101 = arith.constant 0 : i32
          %dma_start3A_102 = tpu.memref_slice %arg6[%mul3A_0, %dma_start3A_101] : memref<10240x32xf32, #tpu.memory_space<hbm>> -> memref<640x32xf32, #tpu.memory_space<hbm>>
          %dma_start3A_103 = arith.constant 0 : i32
          %dma_start3A_104 = tpu.memref_slice %arg6[%mul3A_0, %dma_start3A_103] : memref<10240x32xf32, #tpu.memory_space<hbm>> -> memref<640x32xf32, #tpu.memory_space<hbm>>
          tpu.enqueue_dma source(%dma_start3A_104 : memref<640x32xf32, #tpu.memory_space<hbm>>) target(%arg16 : memref<640x32xf32, #tpu.memory_space<vmem>>) target_semaphore(%run_scoped3A : memref<!tpu.dma_semaphore, #tpu.memory_space<semaphore_mem>>)
          %dma_wait3A_105 = arith.constant 0 : i32
          %dma_wait3A_106 = tpu.memref_slice %arg6[%mul3A_0, %dma_wait3A_105] : memref<10240x32xf32, #tpu.memory_space<hbm>> -> memref<640x32xf32, #tpu.memory_space<hbm>>
          %dma_wait3A_107 = arith.constant 0 : i32
          %dma_wait3A_108 = tpu.memref_slice %arg6[%mul3A_0, %dma_wait3A_107] : memref<10240x32xf32, #tpu.memory_space<hbm>> -> memref<640x32xf32, #tpu.memory_space<hbm>>
          tpu.wait_dma2 semaphore(%run_scoped3A : memref<!tpu.dma_semaphore, #tpu.memory_space<semaphore_mem>>) src(%dma_wait3A_108 : memref<640x32xf32, #tpu.memory_space<hbm>>) dst(%arg16 : memref<640x32xf32, #tpu.memory_space<vmem>>)
          tpu.yield
        }) : () -> ()
      } else {
      }
      %dma_start3A_62 = arith.constant 0 : i32
      %dma_start3A_63 = tpu.memref_slice %arg10[%arg0, %mul3A_0, %dma_start3A_62] : memref<2x10240x32xf32, #tpu.memory_space<hbm>> -> memref<1x160x32xf32, #tpu.memory_space<hbm>>
      %dma_start3A_64 = tpu.memref_squeeze %dma_start3A_63 : memref<1x160x32xf32, #tpu.memory_space<hbm>> -> memref<160x32xf32, #tpu.memory_space<hbm>>
      %dma_start3A_65 = arith.constant 0 : i32
      %dma_start3A_66 = tpu.memref_slice %arg10[%arg0, %mul3A_0, %dma_start3A_65] : memref<2x10240x32xf32, #tpu.memory_space<hbm>> -> memref<1x160x32xf32, #tpu.memory_space<hbm>>
      %dma_start3A_67 = tpu.memref_squeeze %dma_start3A_66 : memref<1x160x32xf32, #tpu.memory_space<hbm>> -> memref<160x32xf32, #tpu.memory_space<hbm>>
      tpu.enqueue_dma source(%dma_start3A_67 : memref<160x32xf32, #tpu.memory_space<hbm>>) target(%arg17 : memref<160x32xf32, #tpu.memory_space<vmem>>) target_semaphore(%arg26 : memref<!tpu.dma_semaphore, #tpu.memory_space<semaphore_mem>>)
      %lt3A = arith.constant 9 : i32
      %lt3A_68 = arith.cmpi slt, %scan3A_53, %lt3A : i32
      %convert_element_type3A_69 = arith.extui %lt3A_68 : i1 to i32
      %cond3A_70 = arith.constant 0 : i32
      %cond3A_71 = arith.cmpi ne, %convert_element_type3A_69, %cond3A_70 : i32
      scf.if %cond3A_71 {
        %dma_start3A_101 = tpu.memref_slice %arg3[%mul3A_0, %mul3A_2] : memref<10240x64xf32, #tpu.memory_space<hbm>> -> memref<160x32xf32, #tpu.memory_space<hbm>>
        %dma_start3A_102 = tpu.memref_slice %arg3[%mul3A_0, %mul3A_2] : memref<10240x64xf32, #tpu.memory_space<hbm>> -> memref<160x32xf32, #tpu.memory_space<hbm>>
        tpu.enqueue_dma source(%dma_start3A_102 : memref<160x32xf32, #tpu.memory_space<hbm>>) target(%arg19 : memref<160x32xf32, #tpu.memory_space<vmem>>) target_semaphore(%arg28 : memref<!tpu.dma_semaphore, #tpu.memory_space<semaphore_mem>>)
      } else {
      }
      %eq3A_72 = arith.constant 9 : i32
      %eq3A_73 = arith.cmpi eq, %scan3A_53, %eq3A_72 : i32
      %convert_element_type3A_74 = arith.extui %eq3A_73 : i1 to i32
      %cond3A_75 = arith.constant 0 : i32
      %cond3A_76 = arith.cmpi ne, %convert_element_type3A_74, %cond3A_75 : i32
      scf.if %cond3A_76 {
        %dma_start3A_101 = tpu.memref_slice %arg4[%mul3A_0, %mul3A_2] : memref<10240x64xf32, #tpu.memory_space<hbm>> -> memref<160x32xf32, #tpu.memory_space<hbm>>
        %dma_start3A_102 = tpu.memref_slice %arg4[%mul3A_0, %mul3A_2] : memref<10240x64xf32, #tpu.memory_space<hbm>> -> memref<160x32xf32, #tpu.memory_space<hbm>>
        tpu.enqueue_dma source(%dma_start3A_102 : memref<160x32xf32, #tpu.memory_space<hbm>>) target(%arg19 : memref<160x32xf32, #tpu.memory_space<vmem>>) target_semaphore(%arg28 : memref<!tpu.dma_semaphore, #tpu.memory_space<semaphore_mem>>)
      } else {
      }
      %dma_wait3A_77 = arith.constant 0 : i32
      %dma_wait3A_78 = arith.constant 0 : i32
      %dma_wait3A_79 = arith.constant 0 : i32
      %dma_wait3A_80 = tpu.memref_slice %arg13[%dma_wait3A_77, %dma_wait3A_78, %dma_wait3A_79] : memref<40x1x512xi32, #tpu.memory_space<vmem>> -> memref<1x1x512xi32, #tpu.memory_space<vmem>>
      %dma_wait3A_81 = tpu.memref_squeeze %dma_wait3A_80 : memref<1x1x512xi32, #tpu.memory_space<vmem>> -> memref<512xi32, #tpu.memory_space<vmem>>
      %dma_wait3A_82 = arith.constant 0 : i32
      %dma_wait3A_83 = arith.constant 0 : i32
      %dma_wait3A_84 = tpu.memref_slice %arg20[%dma_wait3A_82, %dma_wait3A_83] : memref<10240x32xf32, #tpu.memory_space<vmem_shared>> -> memref<10240x32xf32, #tpu.memory_space<vmem_shared>>
      tpu.wait_indirect_dma semaphore(%arg24 : memref<!tpu.dma_semaphore, #tpu.memory_space<semaphore_mem>>) src(%arg14 : memref<512x32xf32, #tpu.memory_space<vmem>>) dst(%dma_wait3A_84 : memref<10240x32xf32, #tpu.memory_space<vmem_shared>>)
      %dma_wait3A_85 = arith.constant 0 : i32
      %dma_wait3A_86 = arith.constant 0 : i32
      %dma_wait3A_87 = arith.constant 0 : i32
      %dma_wait3A_88 = tpu.memref_slice %arg13[%dma_wait3A_85, %dma_wait3A_86, %dma_wait3A_87] : memref<40x1x512xi32, #tpu.memory_space<vmem>> -> memref<1x1x512xi32, #tpu.memory_space<vmem>>
      %dma_wait3A_89 = tpu.memref_squeeze %dma_wait3A_88 : memref<1x1x512xi32, #tpu.memory_space<vmem>> -> memref<512xi32, #tpu.memory_space<vmem>>
      %dma_wait3A_90 = arith.constant 0 : i32
      %dma_wait3A_91 = arith.constant 0 : i32
      %dma_wait3A_92 = tpu.memref_slice %arg20[%dma_wait3A_90, %dma_wait3A_91] : memref<10240x32xf32, #tpu.memory_space<vmem_shared>> -> memref<10240x32xf32, #tpu.memory_space<vmem_shared>>
      tpu.wait_indirect_dma semaphore(%arg25 : memref<!tpu.dma_semaphore, #tpu.memory_space<semaphore_mem>>) src(%arg15 : memref<512x32xf32, #tpu.memory_space<vmem>>) dst(%dma_wait3A_92 : memref<10240x32xf32, #tpu.memory_space<vmem_shared>>)
      %barrier3A_93 = arith.constant 0 : index
      tpu.barrier barrier_id(%barrier3A_93)
      %scan3A_94 = arith.constant 0 : i32
      %scan3A_95 = arith.constant 0 : i32
      %scan3A_96 = arith.constant 4 : i32
      %scan3A_97 = arith.addi %scan3A_95, %scan3A_96 : i32
      %scan3A_98 = arith.constant 1 : i32
      scf.for %scan3A_101 = %scan3A_95 to %scan3A_97 step %scan3A_98  : i32 {
        %mul3A_102 = arith.constant 160 : i32
        %mul3A_103 = arith.muli %scan3A_101, %mul3A_102 : i32
        %add3A_104 = arith.addi %mul3A_0, %mul3A_103 : i32
        %gt3A = arith.constant 0 : i32
        %gt3A_105 = arith.cmpi sgt, %scan3A_101, %gt3A : i32
        %convert_element_type3A_106 = arith.extui %gt3A_105 : i1 to i32
        %cond3A_107 = arith.constant 0 : i32
        %cond3A_108 = arith.cmpi ne, %convert_element_type3A_106, %cond3A_107 : i32
        scf.if %cond3A_108 {
          %dma_start3A_149 = arith.constant 0 : i32
          %dma_start3A_150 = tpu.memref_slice %arg10[%arg0, %add3A_104, %dma_start3A_149] : memref<2x10240x32xf32, #tpu.memory_space<hbm>> -> memref<1x160x32xf32, #tpu.memory_space<hbm>>
          %dma_start3A_151 = tpu.memref_squeeze %dma_start3A_150 : memref<1x160x32xf32, #tpu.memory_space<hbm>> -> memref<160x32xf32, #tpu.memory_space<hbm>>
          %dma_start3A_152 = arith.constant 0 : i32
          %dma_start3A_153 = tpu.memref_slice %arg10[%arg0, %add3A_104, %dma_start3A_152] : memref<2x10240x32xf32, #tpu.memory_space<hbm>> -> memref<1x160x32xf32, #tpu.memory_space<hbm>>
          %dma_start3A_154 = tpu.memref_squeeze %dma_start3A_153 : memref<1x160x32xf32, #tpu.memory_space<hbm>> -> memref<160x32xf32, #tpu.memory_space<hbm>>
          tpu.enqueue_dma source(%dma_start3A_154 : memref<160x32xf32, #tpu.memory_space<hbm>>) target(%arg17 : memref<160x32xf32, #tpu.memory_space<vmem>>) target_semaphore(%arg26 : memref<!tpu.dma_semaphore, #tpu.memory_space<semaphore_mem>>)
          %lt3A_155 = arith.constant 9 : i32
          %lt3A_156 = arith.cmpi slt, %scan3A_53, %lt3A_155 : i32
          %convert_element_type3A_157 = arith.extui %lt3A_156 : i1 to i32
          %cond3A_158 = arith.constant 0 : i32
          %cond3A_159 = arith.cmpi ne, %convert_element_type3A_157, %cond3A_158 : i32
          scf.if %cond3A_159 {
            %dma_start3A_165 = tpu.memref_slice %arg3[%add3A_104, %mul3A_2] : memref<10240x64xf32, #tpu.memory_space<hbm>> -> memref<160x32xf32, #tpu.memory_space<hbm>>
            %dma_start3A_166 = tpu.memref_slice %arg3[%add3A_104, %mul3A_2] : memref<10240x64xf32, #tpu.memory_space<hbm>> -> memref<160x32xf32, #tpu.memory_space<hbm>>
            tpu.enqueue_dma source(%dma_start3A_166 : memref<160x32xf32, #tpu.memory_space<hbm>>) target(%arg19 : memref<160x32xf32, #tpu.memory_space<vmem>>) target_semaphore(%arg28 : memref<!tpu.dma_semaphore, #tpu.memory_space<semaphore_mem>>)
          } else {
          }
          %eq3A_160 = arith.constant 9 : i32
          %eq3A_161 = arith.cmpi eq, %scan3A_53, %eq3A_160 : i32
          %convert_element_type3A_162 = arith.extui %eq3A_161 : i1 to i32
          %cond3A_163 = arith.constant 0 : i32
          %cond3A_164 = arith.cmpi ne, %convert_element_type3A_162, %cond3A_163 : i32
          scf.if %cond3A_164 {
            %dma_start3A_165 = tpu.memref_slice %arg4[%add3A_104, %mul3A_2] : memref<10240x64xf32, #tpu.memory_space<hbm>> -> memref<160x32xf32, #tpu.memory_space<hbm>>
            %dma_start3A_166 = tpu.memref_slice %arg4[%add3A_104, %mul3A_2] : memref<10240x64xf32, #tpu.memory_space<hbm>> -> memref<160x32xf32, #tpu.memory_space<hbm>>
            tpu.enqueue_dma source(%dma_start3A_166 : memref<160x32xf32, #tpu.memory_space<hbm>>) target(%arg19 : memref<160x32xf32, #tpu.memory_space<vmem>>) target_semaphore(%arg28 : memref<!tpu.dma_semaphore, #tpu.memory_space<semaphore_mem>>)
          } else {
          }
        } else {
        }
        %dma_start3A_109 = arith.constant 0 : i32
        %dma_start3A_110 = tpu.memref_slice %arg20[%add3A_104, %dma_start3A_109] : memref<10240x32xf32, #tpu.memory_space<vmem_shared>> -> memref<160x32xf32, #tpu.memory_space<vmem_shared>>
        %dma_start3A_111 = arith.constant 0 : i32
        %dma_start3A_112 = tpu.memref_slice %arg20[%add3A_104, %dma_start3A_111] : memref<10240x32xf32, #tpu.memory_space<vmem_shared>> -> memref<160x32xf32, #tpu.memory_space<vmem_shared>>
        tpu.enqueue_dma source(%dma_start3A_112 : memref<160x32xf32, #tpu.memory_space<vmem_shared>>) target(%arg18 : memref<160x32xf32, #tpu.memory_space<vmem>>) target_semaphore(%arg27 : memref<!tpu.dma_semaphore, #tpu.memory_space<semaphore_mem>>)
        %dma_wait3A_113 = arith.constant 0 : i32
        %dma_wait3A_114 = tpu.memref_slice %arg10[%arg0, %add3A_104, %dma_wait3A_113] : memref<2x10240x32xf32, #tpu.memory_space<hbm>> -> memref<1x160x32xf32, #tpu.memory_space<hbm>>
        %dma_wait3A_115 = tpu.memref_squeeze %dma_wait3A_114 : memref<1x160x32xf32, #tpu.memory_space<hbm>> -> memref<160x32xf32, #tpu.memory_space<hbm>>
        %dma_wait3A_116 = arith.constant 0 : i32
        %dma_wait3A_117 = tpu.memref_slice %arg10[%arg0, %add3A_104, %dma_wait3A_116] : memref<2x10240x32xf32, #tpu.memory_space<hbm>> -> memref<1x160x32xf32, #tpu.memory_space<hbm>>
        %dma_wait3A_118 = tpu.memref_squeeze %dma_wait3A_117 : memref<1x160x32xf32, #tpu.memory_space<hbm>> -> memref<160x32xf32, #tpu.memory_space<hbm>>
        tpu.wait_dma2 semaphore(%arg26 : memref<!tpu.dma_semaphore, #tpu.memory_space<semaphore_mem>>) src(%dma_wait3A_118 : memref<160x32xf32, #tpu.memory_space<hbm>>) dst(%arg17 : memref<160x32xf32, #tpu.memory_space<vmem>>)
        %dma_wait3A_119 = arith.constant 0 : i32
        %dma_wait3A_120 = tpu.memref_slice %arg20[%add3A_104, %dma_wait3A_119] : memref<10240x32xf32, #tpu.memory_space<vmem_shared>> -> memref<160x32xf32, #tpu.memory_space<vmem_shared>>
        %dma_wait3A_121 = arith.constant 0 : i32
        %dma_wait3A_122 = tpu.memref_slice %arg20[%add3A_104, %dma_wait3A_121] : memref<10240x32xf32, #tpu.memory_space<vmem_shared>> -> memref<160x32xf32, #tpu.memory_space<vmem_shared>>
        tpu.wait_dma2 semaphore(%arg27 : memref<!tpu.dma_semaphore, #tpu.memory_space<semaphore_mem>>) src(%dma_wait3A_122 : memref<160x32xf32, #tpu.memory_space<vmem_shared>>) dst(%arg18 : memref<160x32xf32, #tpu.memory_space<vmem>>)
        %dma_start3A_123 = arith.constant 0 : i32
        %dma_start3A_124 = tpu.memref_slice %arg20[%add3A_104, %dma_start3A_123] : memref<10240x32xf32, #tpu.memory_space<vmem_shared>> -> memref<160x32xf32, #tpu.memory_space<vmem_shared>>
        %dma_start3A_125 = arith.constant 0 : i32
        %dma_start3A_126 = tpu.memref_slice %arg9[%add3A_104, %dma_start3A_125] : memref<10240x32xf32, #tpu.memory_space<hbm>> -> memref<160x32xf32, #tpu.memory_space<hbm>>
        tpu.enqueue_dma source(%dma_start3A_126 : memref<160x32xf32, #tpu.memory_space<hbm>>) target(%dma_start3A_124 : memref<160x32xf32, #tpu.memory_space<vmem_shared>>) target_semaphore(%arg29 : memref<!tpu.dma_semaphore, #tpu.memory_space<semaphore_mem>>)
        %dma_wait3A_127 = tpu.memref_slice %arg3[%add3A_104, %mul3A_2] : memref<10240x64xf32, #tpu.memory_space<hbm>> -> memref<160x32xf32, #tpu.memory_space<hbm>>
        %dma_wait3A_128 = tpu.memref_slice %arg3[%add3A_104, %mul3A_2] : memref<10240x64xf32, #tpu.memory_space<hbm>> -> memref<160x32xf32, #tpu.memory_space<hbm>>
        tpu.wait_dma2 semaphore(%arg28 : memref<!tpu.dma_semaphore, #tpu.memory_space<semaphore_mem>>) src(%dma_wait3A_128 : memref<160x32xf32, #tpu.memory_space<hbm>>) dst(%arg19 : memref<160x32xf32, #tpu.memory_space<vmem>>)
        %scan3A_129 = arith.constant 0 : i32
        %scan3A_130 = arith.constant 0 : i32
        %scan3A_131 = arith.constant 160 : i32
        %scan3A_132 = arith.addi %scan3A_130, %scan3A_131 : i32
        %scan3A_133 = arith.constant 1 : i32
        scf.for %scan3A_149 = %scan3A_130 to %scan3A_132 step %scan3A_133  : i32 {
          %mul3A_150 = arith.constant 160 : i32
          %mul3A_151 = arith.muli %scan3A_101, %mul3A_150 : i32
          %add3A_152 = arith.addi %mul3A_151, %scan3A_149 : i32
          %get3A = arith.index_cast %add3A_152 : i32 to index
          %get3A_153 = arith.constant 0 : index
          %get3A_154 = tpu.vector_load %arg16[%get3A, %get3A_153] {strides = array<i32>} : memref<640x32xf32, #tpu.memory_space<vmem>>, vector<1x16xf32>,
          %get3A_155 = vector.shape_cast %get3A_154 : vector<1x16xf32> to vector<16xf32>
          %get3A_156 = arith.index_cast %scan3A_149 : i32 to index
          %get3A_157 = arith.constant 0 : index
          %get3A_158 = tpu.vector_load %arg17[%get3A_156, %get3A_157] {strides = array<i32>} : memref<160x32xf32, #tpu.memory_space<vmem>>, vector<1x16xf32>,
          %get3A_159 = vector.shape_cast %get3A_158 : vector<1x16xf32> to vector<16xf32>
          %get3A_160 = arith.index_cast %scan3A_149 : i32 to index
          %get3A_161 = arith.constant 0 : index
          %get3A_162 = tpu.vector_load %arg18[%get3A_160, %get3A_161] {strides = array<i32>} : memref<160x32xf32, #tpu.memory_space<vmem>>, vector<1x16xf32>,
          %get3A_163 = vector.shape_cast %get3A_162 : vector<1x16xf32> to vector<16xf32>
          %add3A_164 = arith.addf %get3A_159, %get3A_163 : vector<16xf32>
          %mul3A_165 = arith.mulf %get3A_155, %add3A_164 : vector<16xf32>
          %get3A_166 = arith.index_cast %scan3A_149 : i32 to index
          %get3A_167 = arith.constant 0 : index
          %get3A_168 = tpu.vector_load %arg19[%get3A_166, %get3A_167] {strides = array<i32>} : memref<160x32xf32, #tpu.memory_space<vmem>>, vector<1x16xf32>,
          %get3A_169 = vector.shape_cast %get3A_168 : vector<1x16xf32> to vector<16xf32>
          %mul3A_170 = arith.constant 1.000000e-01 : f32
          %mul3A_171 = vector.broadcast %mul3A_170 : f32 to vector<16xf32>
          %mul3A_172 = arith.mulf %mul3A_171, %get3A_169 : vector<16xf32>
          %add3A_173 = arith.addf %mul3A_165, %mul3A_172 : vector<16xf32>
          %swap3A = arith.index_cast %scan3A_149 : i32 to index
          %swap3A_174 = arith.constant 0 : index
          %swap3A_175 = tpu.vector_load %arg17[%swap3A, %swap3A_174] {strides = array<i32>} : memref<160x32xf32, #tpu.memory_space<vmem>>, vector<1x16xf32>,
          %swap3A_176 = vector.shape_cast %swap3A_175 : vector<1x16xf32> to vector<16xf32>
          %swap3A_177 = vector.shape_cast %add3A_173 : vector<16xf32> to vector<1x16xf32>
          tpu.vector_store %arg17[%swap3A, %swap3A_174], %swap3A_177 {strides = array<i32>} : memref<160x32xf32, #tpu.memory_space<vmem>>, vector<1x16xf32>,
          %mul3A_178 = arith.constant 160 : i32
          %mul3A_179 = arith.muli %scan3A_101, %mul3A_178 : i32
          %add3A_180 = arith.addi %mul3A_179, %scan3A_149 : i32
          %get3A_181 = arith.index_cast %add3A_180 : i32 to index
          %get3A_182 = arith.constant 16 : index
          %get3A_183 = tpu.vector_load %arg16[%get3A_181, %get3A_182] {strides = array<i32>} : memref<640x32xf32, #tpu.memory_space<vmem>>, vector<1x16xf32>,
          %get3A_184 = vector.shape_cast %get3A_183 : vector<1x16xf32> to vector<16xf32>
          %get3A_185 = arith.index_cast %scan3A_149 : i32 to index
          %get3A_186 = arith.constant 16 : index
          %get3A_187 = tpu.vector_load %arg17[%get3A_185, %get3A_186] {strides = array<i32>} : memref<160x32xf32, #tpu.memory_space<vmem>>, vector<1x16xf32>,
          %get3A_188 = vector.shape_cast %get3A_187 : vector<1x16xf32> to vector<16xf32>
          %get3A_189 = arith.index_cast %scan3A_149 : i32 to index
          %get3A_190 = arith.constant 16 : index
          %get3A_191 = tpu.vector_load %arg18[%get3A_189, %get3A_190] {strides = array<i32>} : memref<160x32xf32, #tpu.memory_space<vmem>>, vector<1x16xf32>,
          %get3A_192 = vector.shape_cast %get3A_191 : vector<1x16xf32> to vector<16xf32>
          %add3A_193 = arith.addf %get3A_188, %get3A_192 : vector<16xf32>
          %mul3A_194 = arith.mulf %get3A_184, %add3A_193 : vector<16xf32>
          %get3A_195 = arith.index_cast %scan3A_149 : i32 to index
          %get3A_196 = arith.constant 16 : index
          %get3A_197 = tpu.vector_load %arg19[%get3A_195, %get3A_196] {strides = array<i32>} : memref<160x32xf32, #tpu.memory_space<vmem>>, vector<1x16xf32>,
          %get3A_198 = vector.shape_cast %get3A_197 : vector<1x16xf32> to vector<16xf32>
          %mul3A_199 = arith.constant 1.000000e-01 : f32
          %mul3A_200 = vector.broadcast %mul3A_199 : f32 to vector<16xf32>
          %mul3A_201 = arith.mulf %mul3A_200, %get3A_198 : vector<16xf32>
          %add3A_202 = arith.addf %mul3A_194, %mul3A_201 : vector<16xf32>
          %swap3A_203 = arith.index_cast %scan3A_149 : i32 to index
          %swap3A_204 = arith.constant 16 : index
          %swap3A_205 = tpu.vector_load %arg17[%swap3A_203, %swap3A_204] {strides = array<i32>} : memref<160x32xf32, #tpu.memory_space<vmem>>, vector<1x16xf32>,
          %swap3A_206 = vector.shape_cast %swap3A_205 : vector<1x16xf32> to vector<16xf32>
          %swap3A_207 = vector.shape_cast %add3A_202 : vector<16xf32> to vector<1x16xf32>
          tpu.vector_store %arg17[%swap3A_203, %swap3A_204], %swap3A_207 {strides = array<i32>} : memref<160x32xf32, #tpu.memory_space<vmem>>, vector<1x16xf32>,
        }
        %scan3A_134 = arith.constant 160 : i32
        %lt3A_135 = arith.constant 9 : i32
        %lt3A_136 = arith.cmpi slt, %scan3A_53, %lt3A_135 : i32
        %convert_element_type3A_137 = arith.extui %lt3A_136 : i1 to i32
        %cond3A_138 = arith.constant 0 : i32
        %cond3A_139 = arith.cmpi ne, %convert_element_type3A_137, %cond3A_138 : i32
        scf.if %cond3A_139 {
          "tpu.region"() ({
            %run_scoped3A = tpu.sem_alloc : memref<!tpu.dma_semaphore, #tpu.memory_space<semaphore_mem>>
            %dma_start3A_149 = arith.constant 0 : i32
            %dma_start3A_150 = tpu.memref_slice %arg10[%arg0, %add3A_104, %dma_start3A_149] : memref<2x10240x32xf32, #tpu.memory_space<hbm>> -> memref<1x160x32xf32, #tpu.memory_space<hbm>>
            %dma_start3A_151 = tpu.memref_squeeze %dma_start3A_150 : memref<1x160x32xf32, #tpu.memory_space<hbm>> -> memref<160x32xf32, #tpu.memory_space<hbm>>
            %dma_start3A_152 = arith.constant 0 : i32
            %dma_start3A_153 = tpu.memref_slice %arg10[%arg0, %add3A_104, %dma_start3A_152] : memref<2x10240x32xf32, #tpu.memory_space<hbm>> -> memref<1x160x32xf32, #tpu.memory_space<hbm>>
            %dma_start3A_154 = tpu.memref_squeeze %dma_start3A_153 : memref<1x160x32xf32, #tpu.memory_space<hbm>> -> memref<160x32xf32, #tpu.memory_space<hbm>>
            tpu.enqueue_dma source(%arg17 : memref<160x32xf32, #tpu.memory_space<vmem>>) target(%dma_start3A_154 : memref<160x32xf32, #tpu.memory_space<hbm>>) target_semaphore(%run_scoped3A : memref<!tpu.dma_semaphore, #tpu.memory_space<semaphore_mem>>)
            %dma_wait3A_155 = arith.constant 0 : i32
            %dma_wait3A_156 = tpu.memref_slice %arg10[%arg0, %add3A_104, %dma_wait3A_155] : memref<2x10240x32xf32, #tpu.memory_space<hbm>> -> memref<1x160x32xf32, #tpu.memory_space<hbm>>
            %dma_wait3A_157 = tpu.memref_squeeze %dma_wait3A_156 : memref<1x160x32xf32, #tpu.memory_space<hbm>> -> memref<160x32xf32, #tpu.memory_space<hbm>>
            %dma_wait3A_158 = arith.constant 0 : i32
            %dma_wait3A_159 = tpu.memref_slice %arg10[%arg0, %add3A_104, %dma_wait3A_158] : memref<2x10240x32xf32, #tpu.memory_space<hbm>> -> memref<1x160x32xf32, #tpu.memory_space<hbm>>
            %dma_wait3A_160 = tpu.memref_squeeze %dma_wait3A_159 : memref<1x160x32xf32, #tpu.memory_space<hbm>> -> memref<160x32xf32, #tpu.memory_space<hbm>>
            tpu.wait_dma2 semaphore(%run_scoped3A : memref<!tpu.dma_semaphore, #tpu.memory_space<semaphore_mem>>) src(%arg17 : memref<160x32xf32, #tpu.memory_space<vmem>>) dst(%dma_wait3A_160 : memref<160x32xf32, #tpu.memory_space<hbm>>)
            tpu.yield
          }) : () -> ()
        } else {
        }
        %eq3A_140 = arith.constant 9 : i32
        %eq3A_141 = arith.cmpi eq, %scan3A_53, %eq3A_140 : i32
        %convert_element_type3A_142 = arith.extui %eq3A_141 : i1 to i32
        %cond3A_143 = arith.constant 0 : i32
        %cond3A_144 = arith.cmpi ne, %convert_element_type3A_142, %cond3A_143 : i32
        scf.if %cond3A_144 {
          "tpu.region"() ({
            %run_scoped3A = tpu.sem_alloc : memref<!tpu.dma_semaphore, #tpu.memory_space<semaphore_mem>>
            %dma_start3A_149 = tpu.memref_slice %arg11[%add3A_104, %mul3A_2] : memref<10240x64xf32, #tpu.memory_space<hbm>> -> memref<160x32xf32, #tpu.memory_space<hbm>>
            %dma_start3A_150 = tpu.memref_slice %arg11[%add3A_104, %mul3A_2] : memref<10240x64xf32, #tpu.memory_space<hbm>> -> memref<160x32xf32, #tpu.memory_space<hbm>>
            tpu.enqueue_dma source(%arg17 : memref<160x32xf32, #tpu.memory_space<vmem>>) target(%dma_start3A_150 : memref<160x32xf32, #tpu.memory_space<hbm>>) target_semaphore(%run_scoped3A : memref<!tpu.dma_semaphore, #tpu.memory_space<semaphore_mem>>)
            %dma_wait3A_151 = tpu.memref_slice %arg11[%add3A_104, %mul3A_2] : memref<10240x64xf32, #tpu.memory_space<hbm>> -> memref<160x32xf32, #tpu.memory_space<hbm>>
            %dma_wait3A_152 = tpu.memref_slice %arg11[%add3A_104, %mul3A_2] : memref<10240x64xf32, #tpu.memory_space<hbm>> -> memref<160x32xf32, #tpu.memory_space<hbm>>
            tpu.wait_dma2 semaphore(%run_scoped3A : memref<!tpu.dma_semaphore, #tpu.memory_space<semaphore_mem>>) src(%arg17 : memref<160x32xf32, #tpu.memory_space<vmem>>) dst(%dma_wait3A_152 : memref<160x32xf32, #tpu.memory_space<hbm>>)
            tpu.yield
          }) : () -> ()
        } else {
        }
        %dma_wait3A_145 = arith.constant 0 : i32
        %dma_wait3A_146 = tpu.memref_slice %arg20[%add3A_104, %dma_wait3A_145] : memref<10240x32xf32, #tpu.memory_space<vmem_shared>> -> memref<160x32xf32, #tpu.memory_space<vmem_shared>>
        %dma_wait3A_147 = arith.constant 0 : i32
        %dma_wait3A_148 = tpu.memref_slice %arg9[%add3A_104, %dma_wait3A_147] : memref<10240x32xf32, #tpu.memory_space<hbm>> -> memref<160x32xf32, #tpu.memory_space<hbm>>
        tpu.wait_dma2 semaphore(%arg29 : memref<!tpu.dma_semaphore, #tpu.memory_space<semaphore_mem>>) src(%dma_wait3A_148 : memref<160x32xf32, #tpu.memory_space<hbm>>) dst(%dma_wait3A_146 : memref<160x32xf32, #tpu.memory_space<vmem_shared>>)
      }
      %scan3A_99 = arith.constant 4 : i32
      %barrier3A_100 = arith.constant 0 : index
      tpu.barrier barrier_id(%barrier3A_100)
    }
    %scan3A_52 = arith.constant 10 : i32
    return
  }
}

#map = affine_map<(d0, d1) -> (0, 0, 0, 0)>
#map1 = affine_map<(d0, d1) -> (0)>
#map2 = affine_map<(d0, d1) -> (0, 0)>
module attributes {stable_mosaic.version = 14 : i64} {
  func.func @_deg_body(%arg0: i32, %arg1: i32, %arg2: memref<32x20x1x512xi32, #tpu.memory_space<hbm>>, %arg3: memref<10240xf32, #tpu.memory_space<hbm>>, %arg4: memref<512xf32, #tpu.memory_space<hbm>>, %arg5: memref<2x10240xf32, #tpu.memory_space<hbm>>, %arg6: memref<20x1x512xi32, #tpu.memory_space<vmem>>, %arg7: memref<512xf32, #tpu.memory_space<vmem>>, %arg8: memref<10240xf32, #tpu.memory_space<vmem_shared>>, %arg9: memref<!tpu.dma_semaphore, #tpu.memory_space<semaphore_mem>>, %arg10: memref<!tpu.dma_semaphore, #tpu.memory_space<semaphore_mem>>) attributes {dimension_semantics = [#tpu.dimension_semantics<core_parallel>, #tpu.dimension_semantics<subcore_parallel>], iteration_bounds = array<i64: 2, 16>, scalar_prefetch = 0 : i64, scratch_operands = 5 : i64, tpu.core_type = #tpu.core_type<sc_vector_subcore>, window_params = [{transform_indices = #map}, {transform_indices = #map1}, {transform_indices = #map1}, {transform_indices = #map2}]} {
    %mul3A = arith.constant 16 : i32
    %mul3A_0 = arith.muli %arg0, %mul3A : i32
    %add3A = arith.addi %mul3A_0, %arg1 : i32
    %dma_start3A = arith.constant 0 : i32
    %dma_start3A_1 = arith.constant 0 : i32
    %dma_start3A_2 = arith.constant 0 : i32
    %dma_start3A_3 = tpu.memref_slice %arg2[%add3A, %dma_start3A, %dma_start3A_1, %dma_start3A_2] : memref<32x20x1x512xi32, #tpu.memory_space<hbm>> -> memref<1x20x1x512xi32, #tpu.memory_space<hbm>>
    %dma_start3A_4 = tpu.memref_squeeze %dma_start3A_3 : memref<1x20x1x512xi32, #tpu.memory_space<hbm>> -> memref<20x1x512xi32, #tpu.memory_space<hbm>>
    %dma_start3A_5 = arith.constant 0 : i32
    %dma_start3A_6 = arith.constant 0 : i32
    %dma_start3A_7 = arith.constant 0 : i32
    %dma_start3A_8 = tpu.memref_slice %arg2[%add3A, %dma_start3A_5, %dma_start3A_6, %dma_start3A_7] : memref<32x20x1x512xi32, #tpu.memory_space<hbm>> -> memref<1x20x1x512xi32, #tpu.memory_space<hbm>>
    %dma_start3A_9 = tpu.memref_squeeze %dma_start3A_8 : memref<1x20x1x512xi32, #tpu.memory_space<hbm>> -> memref<20x1x512xi32, #tpu.memory_space<hbm>>
    tpu.enqueue_dma source(%dma_start3A_9 : memref<20x1x512xi32, #tpu.memory_space<hbm>>) target(%arg6 : memref<20x1x512xi32, #tpu.memory_space<vmem>>) target_semaphore(%arg9 : memref<!tpu.dma_semaphore, #tpu.memory_space<semaphore_mem>>)
    tpu.enqueue_dma source(%arg4 : memref<512xf32, #tpu.memory_space<hbm>>) target(%arg7 : memref<512xf32, #tpu.memory_space<vmem>>) target_semaphore(%arg9 : memref<!tpu.dma_semaphore, #tpu.memory_space<semaphore_mem>>)
    %mul3A_10 = arith.constant 640 : i32
    %mul3A_11 = arith.muli %arg1, %mul3A_10 : i32
    %mul3A_12 = arith.constant 640 : i32
    %mul3A_13 = arith.muli %arg1, %mul3A_12 : i32
    "tpu.region"() ({
      %run_scoped3A = tpu.sem_alloc : memref<!tpu.dma_semaphore, #tpu.memory_space<semaphore_mem>>
      %dma_start3A_39 = tpu.memref_slice %arg8[%mul3A_13] : memref<10240xf32, #tpu.memory_space<vmem_shared>> -> memref<640xf32, #tpu.memory_space<vmem_shared>>
      %dma_start3A_40 = tpu.memref_slice %arg3[%mul3A_11] : memref<10240xf32, #tpu.memory_space<hbm>> -> memref<640xf32, #tpu.memory_space<hbm>>
      tpu.enqueue_dma source(%dma_start3A_40 : memref<640xf32, #tpu.memory_space<hbm>>) target(%dma_start3A_39 : memref<640xf32, #tpu.memory_space<vmem_shared>>) target_semaphore(%run_scoped3A : memref<!tpu.dma_semaphore, #tpu.memory_space<semaphore_mem>>)
      %dma_wait3A_41 = tpu.memref_slice %arg8[%mul3A_13] : memref<10240xf32, #tpu.memory_space<vmem_shared>> -> memref<640xf32, #tpu.memory_space<vmem_shared>>
      %dma_wait3A_42 = tpu.memref_slice %arg3[%mul3A_11] : memref<10240xf32, #tpu.memory_space<hbm>> -> memref<640xf32, #tpu.memory_space<hbm>>
      tpu.wait_dma2 semaphore(%run_scoped3A : memref<!tpu.dma_semaphore, #tpu.memory_space<semaphore_mem>>) src(%dma_wait3A_42 : memref<640xf32, #tpu.memory_space<hbm>>) dst(%dma_wait3A_41 : memref<640xf32, #tpu.memory_space<vmem_shared>>)
      tpu.yield
    }) : () -> ()
    %dma_wait3A = arith.constant 0 : i32
    %dma_wait3A_14 = arith.constant 0 : i32
    %dma_wait3A_15 = arith.constant 0 : i32
    %dma_wait3A_16 = tpu.memref_slice %arg2[%add3A, %dma_wait3A, %dma_wait3A_14, %dma_wait3A_15] : memref<32x20x1x512xi32, #tpu.memory_space<hbm>> -> memref<1x20x1x512xi32, #tpu.memory_space<hbm>>
    %dma_wait3A_17 = tpu.memref_squeeze %dma_wait3A_16 : memref<1x20x1x512xi32, #tpu.memory_space<hbm>> -> memref<20x1x512xi32, #tpu.memory_space<hbm>>
    %dma_wait3A_18 = arith.constant 0 : i32
    %dma_wait3A_19 = arith.constant 0 : i32
    %dma_wait3A_20 = arith.constant 0 : i32
    %dma_wait3A_21 = tpu.memref_slice %arg2[%add3A, %dma_wait3A_18, %dma_wait3A_19, %dma_wait3A_20] : memref<32x20x1x512xi32, #tpu.memory_space<hbm>> -> memref<1x20x1x512xi32, #tpu.memory_space<hbm>>
    %dma_wait3A_22 = tpu.memref_squeeze %dma_wait3A_21 : memref<1x20x1x512xi32, #tpu.memory_space<hbm>> -> memref<20x1x512xi32, #tpu.memory_space<hbm>>
    tpu.wait_dma2 semaphore(%arg9 : memref<!tpu.dma_semaphore, #tpu.memory_space<semaphore_mem>>) src(%dma_wait3A_22 : memref<20x1x512xi32, #tpu.memory_space<hbm>>) dst(%arg6 : memref<20x1x512xi32, #tpu.memory_space<vmem>>)
    tpu.wait_dma2 semaphore(%arg9 : memref<!tpu.dma_semaphore, #tpu.memory_space<semaphore_mem>>) src(%arg4 : memref<512xf32, #tpu.memory_space<hbm>>) dst(%arg7 : memref<512xf32, #tpu.memory_space<vmem>>)
    %barrier3A = arith.constant 0 : index
    tpu.barrier barrier_id(%barrier3A)
    %scan3A = arith.constant 0 : i32
    %scan3A_23 = arith.constant 0 : i32
    %scan3A_24 = arith.constant 20 : i32
    %scan3A_25 = arith.addi %scan3A_23, %scan3A_24 : i32
    %scan3A_26 = arith.constant 1 : i32
    scf.for %scan3A_39 = %scan3A_23 to %scan3A_25 step %scan3A_26  : i32 {
      %dma_start3A_40 = arith.constant 0 : i32
      %dma_start3A_41 = arith.constant 0 : i32
      %dma_start3A_42 = tpu.memref_slice %arg6[%scan3A_39, %dma_start3A_40, %dma_start3A_41] : memref<20x1x512xi32, #tpu.memory_space<vmem>> -> memref<1x1x512xi32, #tpu.memory_space<vmem>>
      %dma_start3A_43 = tpu.memref_squeeze %dma_start3A_42 : memref<1x1x512xi32, #tpu.memory_space<vmem>> -> memref<512xi32, #tpu.memory_space<vmem>>
      %dma_start3A_44 = arith.constant 0 : i32
      %dma_start3A_45 = tpu.memref_slice %arg8[%dma_start3A_44] : memref<10240xf32, #tpu.memory_space<vmem_shared>> -> memref<10240xf32, #tpu.memory_space<vmem_shared>>
      tpu.enqueue_indirect_dma source(%arg7 : memref<512xf32, #tpu.memory_space<vmem>>) target(%dma_start3A_45 : memref<10240xf32, #tpu.memory_space<vmem_shared>>) offsets(%dma_start3A_43 : memref<512xi32, #tpu.memory_space<vmem>>) semaphore(%arg10 : memref<!tpu.dma_semaphore, #tpu.memory_space<semaphore_mem>>) {add = true}
    }
    %scan3A_27 = arith.constant 20 : i32
    %scan3A_28 = arith.constant 0 : i32
    %scan3A_29 = arith.constant 0 : i32
    %scan3A_30 = arith.constant 20 : i32
    %scan3A_31 = arith.addi %scan3A_29, %scan3A_30 : i32
    %scan3A_32 = arith.constant 1 : i32
    scf.for %scan3A_39 = %scan3A_29 to %scan3A_31 step %scan3A_32  : i32 {
      %dma_wait3A_40 = arith.constant 0 : i32
      %dma_wait3A_41 = arith.constant 0 : i32
      %dma_wait3A_42 = arith.constant 0 : i32
      %dma_wait3A_43 = tpu.memref_slice %arg6[%dma_wait3A_40, %dma_wait3A_41, %dma_wait3A_42] : memref<20x1x512xi32, #tpu.memory_space<vmem>> -> memref<1x1x512xi32, #tpu.memory_space<vmem>>
      %dma_wait3A_44 = tpu.memref_squeeze %dma_wait3A_43 : memref<1x1x512xi32, #tpu.memory_space<vmem>> -> memref<512xi32, #tpu.memory_space<vmem>>
      %dma_wait3A_45 = arith.constant 0 : i32
      %dma_wait3A_46 = tpu.memref_slice %arg8[%dma_wait3A_45] : memref<10240xf32, #tpu.memory_space<vmem_shared>> -> memref<10240xf32, #tpu.memory_space<vmem_shared>>
      tpu.wait_indirect_dma semaphore(%arg10 : memref<!tpu.dma_semaphore, #tpu.memory_space<semaphore_mem>>) src(%arg7 : memref<512xf32, #tpu.memory_space<vmem>>) dst(%dma_wait3A_46 : memref<10240xf32, #tpu.memory_space<vmem_shared>>)
    }
    %scan3A_33 = arith.constant 20 : i32
    %barrier3A_34 = arith.constant 0 : index
    tpu.barrier barrier_id(%barrier3A_34)
    %mul3A_35 = arith.constant 640 : i32
    %mul3A_36 = arith.muli %arg1, %mul3A_35 : i32
    %mul3A_37 = arith.constant 640 : i32
    %mul3A_38 = arith.muli %arg1, %mul3A_37 : i32
    "tpu.region"() ({
      %run_scoped3A = tpu.sem_alloc : memref<!tpu.dma_semaphore, #tpu.memory_space<semaphore_mem>>
      %dma_start3A_39 = tpu.memref_slice %arg5[%arg0, %mul3A_38] : memref<2x10240xf32, #tpu.memory_space<hbm>> -> memref<1x640xf32, #tpu.memory_space<hbm>>
      %dma_start3A_40 = tpu.memref_squeeze %dma_start3A_39 : memref<1x640xf32, #tpu.memory_space<hbm>> -> memref<640xf32, #tpu.memory_space<hbm>>
      %dma_start3A_41 = tpu.memref_slice %arg8[%mul3A_36] : memref<10240xf32, #tpu.memory_space<vmem_shared>> -> memref<640xf32, #tpu.memory_space<vmem_shared>>
      tpu.enqueue_dma source(%dma_start3A_41 : memref<640xf32, #tpu.memory_space<vmem_shared>>) target(%dma_start3A_40 : memref<640xf32, #tpu.memory_space<hbm>>) target_semaphore(%run_scoped3A : memref<!tpu.dma_semaphore, #tpu.memory_space<semaphore_mem>>)
      %dma_wait3A_42 = tpu.memref_slice %arg5[%arg0, %mul3A_38] : memref<2x10240xf32, #tpu.memory_space<hbm>> -> memref<1x640xf32, #tpu.memory_space<hbm>>
      %dma_wait3A_43 = tpu.memref_squeeze %dma_wait3A_42 : memref<1x640xf32, #tpu.memory_space<hbm>> -> memref<640xf32, #tpu.memory_space<hbm>>
      %dma_wait3A_44 = tpu.memref_slice %arg8[%mul3A_36] : memref<10240xf32, #tpu.memory_space<vmem_shared>> -> memref<640xf32, #tpu.memory_space<vmem_shared>>
      tpu.wait_dma2 semaphore(%run_scoped3A : memref<!tpu.dma_semaphore, #tpu.memory_space<semaphore_mem>>) src(%dma_wait3A_44 : memref<640xf32, #tpu.memory_space<vmem_shared>>) dst(%dma_wait3A_43 : memref<640xf32, #tpu.memory_space<hbm>>)
      tpu.yield
    }) : () -> ()
    return
  }
}

module attributes {stable_mosaic.version = 14 : i64} {
  func.func @_mlp_body(%arg0: memref<10240x128xf32, #tpu.memory_space<vmem>>, %arg1: memref<128x128xf32, #tpu.memory_space<vmem>>, %arg2: memref<1x128xf32, #tpu.memory_space<vmem>>, %arg3: memref<64x128xf32, #tpu.memory_space<vmem>>, %arg4: memref<1x64xf32, #tpu.memory_space<vmem>>, %arg5: memref<10240x2xf32, #tpu.memory_space<vmem>>, %arg6: memref<10240x64xf32, #tpu.memory_space<vmem>>, %arg7: memref<10240x64xf32, #tpu.memory_space<vmem>>, %arg8: memref<10240x32xf32, #tpu.memory_space<vmem>>, %arg9: memref<10240x32xf32, #tpu.memory_space<vmem>>) attributes {dimension_semantics = [], scalar_prefetch = 0 : i64, scratch_operands = 0 : i64, tpu.core_type = #tpu.core_type<tc>} {
    %get3A = arith.constant 0 : index
    %get3A_0 = arith.constant 0 : index
    %get3A_1 = vector.load %arg0[%get3A, %get3A_0] : memref<10240x128xf32, #tpu.memory_space<vmem>>, vector<10240x128xf32>
    %get3A_2 = arith.constant 0 : index
    %get3A_3 = arith.constant 0 : index
    %get3A_4 = vector.load %arg1[%get3A_2, %get3A_3] : memref<128x128xf32, #tpu.memory_space<vmem>>, vector<128x128xf32>
    %transpose3A = tpu.transpose %get3A_4, [1, 0] : vector<128x128xf32> -> vector<128x128xf32>
    %dot_general3A = arith.constant dense<0.000000e+00> : vector<10240x128xf32>
    %dot_general3A_5 = tpu.matmul %get3A_1, %transpose3A, %dot_general3A {dimension_numbers = #tpu.dot_dimension_numbers<[1], [0], [0], [1], [0, 0, 1, 1], [], []>, transpose_lhs_hint = false} : vector<10240x128xf32>, vector<128x128xf32>, vector<10240x128xf32> -> vector<10240x128xf32>
    %get3A_6 = arith.constant 0 : index
    %get3A_7 = arith.constant 0 : index
    %get3A_8 = vector.load %arg2[%get3A_6, %get3A_7] : memref<1x128xf32, #tpu.memory_space<vmem>>, vector<1x128xf32>
    %add3A = vector.broadcast %get3A_8 : vector<1x128xf32> to vector<10240x128xf32>
    %add3A_9 = arith.addf %dot_general3A_5, %add3A : vector<10240x128xf32>
    %max3A = arith.constant 0.000000e+00 : f32
    %max3A_10 = vector.broadcast %max3A : f32 to vector<10240x128xf32>
    %max3A_11 = arith.maximumf %add3A_9, %max3A_10 : vector<10240x128xf32>
    %get3A_12 = arith.constant 0 : index
    %get3A_13 = arith.constant 0 : index
    %get3A_14 = vector.load %arg3[%get3A_12, %get3A_13] : memref<64x128xf32, #tpu.memory_space<vmem>>, vector<64x128xf32>
    %transpose3A_15 = tpu.transpose %get3A_14, [1, 0] : vector<64x128xf32> -> vector<128x64xf32>
    %dot_general3A_16 = arith.constant dense<0.000000e+00> : vector<10240x64xf32>
    %dot_general3A_17 = tpu.matmul %max3A_11, %transpose3A_15, %dot_general3A_16 {dimension_numbers = #tpu.dot_dimension_numbers<[1], [0], [0], [1], [0, 0, 1, 1], [], []>, transpose_lhs_hint = false} : vector<10240x128xf32>, vector<128x64xf32>, vector<10240x64xf32> -> vector<10240x64xf32>
    %get3A_18 = arith.constant 0 : index
    %get3A_19 = arith.constant 0 : index
    %get3A_20 = vector.load %arg4[%get3A_18, %get3A_19] : memref<1x64xf32, #tpu.memory_space<vmem>>, vector<1x64xf32>
    %add3A_21 = vector.broadcast %get3A_20 : vector<1x64xf32> to vector<10240x64xf32>
    %add3A_22 = arith.addf %dot_general3A_17, %add3A_21 : vector<10240x64xf32>
    %get3A_23 = arith.constant 0 : index
    %get3A_24 = arith.constant 0 : index
    %get3A_25 = vector.load %arg5[%get3A_23, %get3A_24] : memref<10240x2xf32, #tpu.memory_space<vmem>>, vector<10240x1xf32>
    %add3A_26 = arith.constant 1.000000e+00 : f32
    %add3A_27 = vector.broadcast %add3A_26 : f32 to vector<10240x1xf32>
    %add3A_28 = arith.addf %add3A_27, %get3A_25 : vector<10240x1xf32>
    %get3A_29 = arith.constant 0 : index
    %get3A_30 = arith.constant 1 : index
    %get3A_31 = vector.load %arg5[%get3A_29, %get3A_30] : memref<10240x2xf32, #tpu.memory_space<vmem>>, vector<10240x1xf32>
    %add3A_32 = arith.addf %add3A_28, %get3A_31 : vector<10240x1xf32>
    %rsqrt3A = math.rsqrt %add3A_32 : vector<10240x1xf32>
    %swap3A = arith.constant 0 : index
    %swap3A_33 = arith.constant 0 : index
    %swap3A_34 = vector.load %arg6[%swap3A, %swap3A_33] : memref<10240x64xf32, #tpu.memory_space<vmem>>, vector<10240x64xf32>
    tpu.vector_store %arg6[%swap3A, %swap3A_33], %add3A_22 {strides = array<i32>} : memref<10240x64xf32, #tpu.memory_space<vmem>>, vector<10240x64xf32>,
    %mul3A = vector.broadcast %rsqrt3A : vector<10240x1xf32> to vector<10240x64xf32>
    %mul3A_35 = arith.mulf %add3A_22, %mul3A : vector<10240x64xf32>
    %swap3A_36 = arith.constant 0 : index
    %swap3A_37 = arith.constant 0 : index
    %swap3A_38 = vector.load %arg7[%swap3A_36, %swap3A_37] : memref<10240x64xf32, #tpu.memory_space<vmem>>, vector<10240x64xf32>
    tpu.vector_store %arg7[%swap3A_36, %swap3A_37], %mul3A_35 {strides = array<i32>} : memref<10240x64xf32, #tpu.memory_space<vmem>>, vector<10240x64xf32>,
    %broadcast_in_dim3A = arith.constant 1.000000e+00 : f32
    %broadcast_in_dim3A_39 = vector.broadcast %broadcast_in_dim3A : f32 to vector<1x32xf32>
    %mul3A_40 = arith.constant 0.899999976 : f32
    %mul3A_41 = vector.broadcast %mul3A_40 : f32 to vector<10240x1xf32>
    %mul3A_42 = arith.mulf %mul3A_41, %rsqrt3A : vector<10240x1xf32>
    %mul3A_43 = arith.mulf %mul3A_42, %rsqrt3A : vector<10240x1xf32>
    %mul3A_44 = vector.broadcast %mul3A_43 : vector<10240x1xf32> to vector<10240x32xf32>
    %mul3A_45 = vector.broadcast %broadcast_in_dim3A_39 : vector<1x32xf32> to vector<10240x32xf32>
    %mul3A_46 = arith.mulf %mul3A_44, %mul3A_45 : vector<10240x32xf32>
    %swap3A_47 = arith.constant 0 : index
    %swap3A_48 = arith.constant 0 : index
    %swap3A_49 = vector.load %arg8[%swap3A_47, %swap3A_48] : memref<10240x32xf32, #tpu.memory_space<vmem>>, vector<10240x32xf32>
    tpu.vector_store %arg8[%swap3A_47, %swap3A_48], %mul3A_46 {strides = array<i32>} : memref<10240x32xf32, #tpu.memory_space<vmem>>, vector<10240x32xf32>,
    %mul3A_50 = arith.constant 0.899999976 : f32
    %mul3A_51 = vector.broadcast %mul3A_50 : f32 to vector<10240x1xf32>
    %mul3A_52 = arith.mulf %mul3A_51, %rsqrt3A : vector<10240x1xf32>
    %mul3A_53 = vector.broadcast %mul3A_52 : vector<10240x1xf32> to vector<10240x32xf32>
    %mul3A_54 = vector.broadcast %broadcast_in_dim3A_39 : vector<1x32xf32> to vector<10240x32xf32>
    %mul3A_55 = arith.mulf %mul3A_53, %mul3A_54 : vector<10240x32xf32>
    %swap3A_56 = arith.constant 0 : index
    %swap3A_57 = arith.constant 0 : index
    %swap3A_58 = vector.load %arg9[%swap3A_56, %swap3A_57] : memref<10240x32xf32, #tpu.memory_space<vmem>>, vector<10240x32xf32>
    tpu.vector_store %arg9[%swap3A_56, %swap3A_57], %mul3A_55 {strides = array<i32>} : memref<10240x32xf32, #tpu.memory_space<vmem>>, vector<10240x32xf32>,
    return
  }
}

</mosaic_0001>

<sc_bundles>
// kernel: kernel.5.cloned.1.call-start
scs
__scs_entry_jumppad:
0x0: {  	(pc) =	sbr.rel $0x88, $3  }
0x1: {  	(tag) =	ssettag $0x0;
	lr =	simm.s32 $0x1  }
0x2: {  	[smem:$0x3F9B] =	sst lr;
	_ =	strace $0xD0000000  }
0x3: {  	_ = 	snop  }
0x4: {  	_ = 	snop  }
0x5: {  	_ = 	snop  }
0x6: {  	_ = 	snop  }
0x7: {  	_ = 	snop  }
__scs_overlays_trampoline_lowered:
0x8: {  	[smem:$0x3FAA] =	sst s0  }
0x9: {  	[smem:$0x3FAB] =	sst s1  }
0xa: {  	[smem:$0x3FAC] =	sst s2  }
0xb: {  	[smem:$0x3FAD] =	sst s3  }
0xc: {  	[smem:$0x3FAE] =	sst s4  }
0xd: {  	[smem:$0x3FAF] =	sst s5  }
0xe: {  	[smem:$0x3FB0] =	sst s6  }
0xf: {  	[smem:$0x3FB1] =	sst s7  }
0x10: {  	[smem:$0x3FB2] =	sst s8  }
0x11: {  	[smem:$0x3FB3] =	sst s9;
	s0 =	simm.s32 @!p0 $0x0  }
0x12: {  	s1 =	sld [smem:$0x3F99];
	s0 =	simm.s32 @p0 $0x1  }
0x13: {  	[smem:$0x3FB4] =	sst s0;
	s0 =	simm.s32 @!p1 $0x0  }
0x14: {  	s2 =	sld [smem:$0x3F98];
	s0 =	simm.s32 @p1 $0x1  }
0x15: {  	[smem:$0x3FB5] =	sst s0;
	s0 =	simm.s32 @!p2 $0x0  }
0x16: {  	s3 =	sld [smem:$0x3FDB];
	s0 =	simm.s32 @p2 $0x1  }
0x17: {  	s4 =	simm.s32 $0x1BF5;
	[smem:$0x3FB7] =	sst s0  }
0x18: {  	s0 =	sld [smem:$0x3F9A];
	_ =	swait.ge [sflag:s4], $0x0  }
0x19: {  	s7 =	sld [smem:$0x3F9B]  }
0x1a: {  	s8 =	sadd.s32 $0xFFFFE003, lr  }
0x1b: {  	s9 =	sadd.s32 $0xFFFFFEF7, lr;
	s5 =	simm.s32 $0xFFFFFFFF;
	p2 =	slt.u32 s8, $0xFFFFF086  }
0x1c: {  	p1 =	slt.u32 s9, $0xF7A;
	s5 =	simm.s32 @!p2 $0x0  }
0x1d: {  	s5 =	simm.s32 @p1 $0x1;
	p0 =	seq.s32 s7, s2  }
0x1e: {  	s7 =	smul.u32 @!p0 $0xF7A, s2;
	p2 =	seq.s32 @!p0 s5, $0x0  }
0x1f: {  	s9 =	smul.u32 $0xF7A, s1;
	s8 =	simm.s32 @!p0 $0x1BF5;
	p2 =	por !p2, p0  }
0x20: {  	[sflag:s8] =	ssyncset.s32 @!p0 $0xFFFFF086;
	s6 =	sadd.s32 @!p0 s3, s7;
	s7 =	simm.s32 @!p0 $0x108  }
0x21: {  	s3 =	sadd.s32 s3, s9;
	s6 =	sadd.s32 @!p0 $0x88, s6;
	s7 =	simm.s32 @p2 $0x1082  }
0x22: {  	[simem:s7], [sflag:s8] =	dma.local @!p0 [hbm:s6], $0xF7A  }
0x23: {  	s9 =	sor.u32 $0xD0000000, s2;
	s6 =	simm.s32 $0x108;
	_ =	swait.ge @!p0 [sflag:s8], $0x0  }
0x24: {  	s3 =	sadd.s32 $0x88, s3;
	s6 =	simm.s32 @!p1 $0x1082;
	[sflag:s4] =	ssyncset.s32 $0xFFFFF086  }
0x25: {  	[simem:s6], [sflag:s4] =	dma.local [hbm:s3], $0xF7A  }
0x26: {  	[smem:$0x3F9B] =	sst s1;
	(tag) =	ssettag s2;
	_ =	strace s9  }
0x27: {  	s1 =	sld [smem:$0x3FAB]  }
0x28: {  	s2 =	sld [smem:$0x3FAC]  }
0x29: {  	s4 =	sld [smem:$0x3FAE]  }
0x2a: {  	p0 =	seq.s32 s5, $0x0;
	s5 =	sld [smem:$0x3FAF]  }
0x2b: {  	s6 =	sld [smem:$0x3FB0]  }
0x2c: {  	s7 =	sld [smem:$0x3FB1]  }
0x2d: {  	s3 =	simm.s32 $0x108;
	s8 =	sld [smem:$0x3FB2]  }
0x2e: {  	s3 =	simm.s32 @!p0 $0x1082;
	s9 =	sld [smem:$0x3FB3]  }
0x2f: {  	lr =	sadd.s32 s0, s3;
	s0 =	sld [smem:$0x3FAA]  }
0x30: {  	s3 =	sld [smem:$0x3FAD]  }
0x31: {  	[smem:$0x3FB6] =	sst s10  }
0x32: {  	s10 =	sld [smem:$0x3FB4];
	_ =	sdelay $0x3  }
0x33: {  	p0 =	seq.s32 s10, $0x1;
	s10 =	sld [smem:$0x3FB6];
	_ =	sdelay $0x3  }
0x34: {  	[smem:$0x3FB6] =	sst s10  }
0x35: {  	s10 =	sld [smem:$0x3FB5];
	_ =	sdelay $0x3  }
0x36: {  	p1 =	seq.s32 s10, $0x1;
	s10 =	sld [smem:$0x3FB6];
	_ =	sdelay $0x3  }
0x37: {  	[smem:$0x3FB6] =	sst s10  }
0x38: {  	s10 =	sld [smem:$0x3FB7]  }
0x39: {  	_ = 	snop;
	(pc) =	sbr.ind lr, $3  }
0x3a: {  	_ = 	snop  }
0x3b: {  	_ = 	snop  }
0x3c: {  	p2 =	seq.s32 s10, $0x1;
	s10 =	sld [smem:$0x3FB6]  }
0x3d: {  	_ =	shalt  }
0x3e: {  	_ =	shalt  }
0x3f: {  	_ =	shalt  }
0x40: {  	_ =	shalt  }
0x41: {  	_ =	shalt  }
0x42: {  	_ =	shalt  }
0x43: {  	_ =	shalt  }
0x44: {  	_ =	shalt  }
0x45: {  	_ =	shalt  }
0x46: {  	_ =	shalt  }
0x47: {  	_ =	shalt  }
0x48: {  	_ =	shalt  }
0x49: {  	_ =	shalt  }
0x4a: {  	_ =	shalt  }
0x4b: {  	_ =	shalt  }
0x4c: {  	_ =	shalt  }
0x4d: {  	_ =	shalt  }
0x4e: {  	_ =	shalt  }
0x4f: {  	_ =	shalt  }
0x50: {  	_ =	shalt  }
0x51: {  	_ =	shalt  }
0x52: {  	_ =	shalt  }
0x53: {  	_ =	shalt  }
0x54: {  	_ =	shalt  }
0x55: {  	_ =	shalt  }
0x56: {  	_ =	shalt  }
0x57: {  	_ =	shalt  }
0x58: {  	_ =	shalt  }
0x59: {  	_ =	shalt  }
0x5a: {  	_ =	shalt  }
0x5b: {  	_ =	shalt  }
0x5c: {  	_ =	shalt  }
0x5d: {  	_ =	shalt  }
0x5e: {  	_ =	shalt  }
0x5f: {  	_ =	shalt  }
0x60: {  	_ =	shalt  }
0x61: {  	_ =	shalt  }
0x62: {  	_ =	shalt  }
0x63: {  	_ =	shalt  }
0x64: {  	_ =	shalt  }
0x65: {  	_ =	shalt  }
0x66: {  	_ =	shalt  }
0x67: {  	_ =	shalt  }
0x68: {  	_ =	shalt  }
0x69: {  	_ =	shalt  }
0x6a: {  	_ =	shalt  }
0x6b: {  	_ =	shalt  }
0x6c: {  	_ =	shalt  }
0x6d: {  	_ =	shalt  }
0x6e: {  	_ =	shalt  }
0x6f: {  	_ =	shalt  }
0x70: {  	_ =	shalt  }
0x71: {  	_ =	shalt  }
0x72: {  	_ =	shalt  }
0x73: {  	_ =	shalt  }
0x74: {  	_ =	shalt  }
0x75: {  	_ =	shalt  }
0x76: {  	_ =	shalt  }
0x77: {  	_ =	shalt  }
0x78: {  	_ =	shalt  }
0x79: {  	_ =	shalt  }
0x7a: {  	_ =	shalt  }
0x7b: {  	_ =	shalt  }
0x7c: {  	_ =	shalt  }
0x7d: {  	_ =	shalt  }
0x7e: {  	_ =	shalt  }
0x7f: {  	_ =	shalt  }
0x80: {  	_ =	shalt  }
0x81: {  	_ =	shalt  }
0x82: {  	_ =	shalt  }
0x83: {  	_ =	shalt  }
0x84: {  	_ =	shalt  }
0x85: {  	_ =	shalt  }
0x86: {  	_ =	shalt  }
0x87: {  	_ =	shalt  }
.Lfunc_end0:
.L_simem_size_0:
called_computation_lowered:
.L_overlay_start_0:
0x88: {  	s2 =	sld [smem:$0x3FD9]  }
0x89: {  	s3 =	sld [smem:$0x3FFE];
	_ =	sdelay $0x1  }
0x8a: {  	s1 =	srdreg.scid  }
0x8b: {  	s0 =	sand.u32 $0x1, s1  }
0x8c: {  	s17 =	sshll.u32 s0, $0xA;
	s2 =	sadd.s32 s3, s2  }
0x8d: {  	s2 =	sadd.s32 s2, s17  }
0x8e: {  	[smem:$0x3FC2] =	sst s2  }
0x8f: {  	_ = 	snop  }
0x90: {  	s2 =	sld [smem:$0x3FD0];
	(tm) =	ssettm $0x1  }
0x91: {  	s18 =	sld [smem:$0x3FFB];
	_ =	sdelay $0x3  }
0x92: {  	_ =	strace s18  }
0x93: {  	s3 =	sld [smem:$0x3FFC];
	_ =	sdelay $0x3  }
0x94: {  	_ =	strace s3  }
0x95: {  	s3 =	sld [smem:$0x3FFD];
	_ =	sdelay $0x3  }
0x96: {  	_ =	strace s3  }
0x97: {  	_ =	strace $0x8FFFFFFF  }
0x98: {  	s19 =	sld [smem:$0x3FDB];
	_ =	sdelay $0x1  }
0x99: {  	s4 =	simm.s32 $_scs_section_size  }
0x9a: {  	s5 =	simm.s32 $_size__tile_overlayer_lowered;
	s6 =	simm.s32 $_tile_overlayer_lowered  }
0x9b: {  	s22 =	simm.s32 $0x1BFF;
	s21 =	sshll.u32 s6, $0x1;
	s3 =	sadd.s32 s4, s19  }
0x9c: {  	s7 =	simm.s32 $0x0;
	s20 =	sshll.u32 s5, $0x1;
	s5 =	sadd.s32 s21, s3  }
0x9d: {  	[timem:s7], [sflag:s22] =	dma.local [hbm:s5], s20  }
0x9e: {  	_ =	swait.ge [sflag:s22], s20  }
0x9f: {  	s4 =	ssub.s32 $0x0, s20;
	[sflag:s22] =	ssyncset.done $0x0  }
0xa0: {  	[sflag:s22] =	ssyncadd.s32 s4;
	_ =	sdelay $0x1  }
0xa1: {  	s23 =	simm.s32 $0x1B8B  }
0xa2: {  	_ =	swait.ge [sflag:s23], $0x1  }
0xa3: {  	[sflag:s23] =	ssyncset.done $0x0  }
0xa4: {  	s25 =	simm.s32 $0x1B8E;
	s24 =	sld [smem:$0x3FFE];
	[sflag:s23] =	ssyncadd.s32 $0xFFFFFFFF  }
0xa5: {  	s26 =	simm.s32 $execute0_lowered;
	[smem:$0x3FD2] =	sst s25  }
0xa6: {  	s5 =	sshll.u32 s26, $0x1;
	_ =	strace $0x80000046;
	[dreg:$0x1] =	wrdreg $0xFFFFFFFF  }
0xa7: {  	s28 =	simm.s32 $_size_execute0_lowered;
	s3 =	sadd.s32 s3, s5;
	[dreg:$0x0] =	wrdreg $0x0  }
0xa8: {  	s5 =	sshll.u32 s28, $0x1;
	[dreg:$0x2] =	wrdreg s3  }
0xa9: {  	[dreg:$0x3] =	wrdreg s5  }
0xaa: {  	[dreg:$0x4] =	wrdreg $0xC0  }
0xab: {  	_ =	task [dreg:s7], $0x5FFFF  }
0xac: {  	[dreg:$0x1] =	wrdreg $0xFFFFFFFF  }
0xad: {  	[dreg:$0x0] =	wrdreg $0x60  }
0xae: {  	[dreg:$0x2] =	wrdreg s2  }
0xaf: {  	[dreg:$0x3] =	wrdreg s24  }
0xb0: {  	[dreg:$0x4] =	wrdreg $0x2A000  }
0xb1: {  	[dreg:$0x5] =	wrdreg $0x9  }
0xb2: {  	_ =	task.clear_ibuf [dreg:s7], $0x6FFFF;
	_ =	strace $0x90000046  }
0xb3: {  	s29 =	simm.s32 $0x9;
	_ =	strace $0x80000048  }
0xb4: {  	_ =	swait.ge [sflag:s29], $0x1  }
0xb5: {  	[sflag:s29] =	ssyncadd.s32 $0xFFFFFFFF  }
0xb6: {  	_ =	strace $0x90000048  }
0xb7: {  	_ =	sfence  }
0xb8: {  	s30 =	sld [smem:$0x0];
	_ =	sdelay $0x2  }
0xb9: {  	s31 =	sshll.u32 s1, $0xD;
	s1 =	sshrl.u32 s1, $0x2  }
0xba: {  	s3 =	sand.u32 $0x4000, s31;
	s1 =	sadd.s32 s1, s30  }
0xbb: {  	s0 =	sor.u32 s3, s0;
	s1 =	sshll.u32 s1, $0x11  }
0xbc: {  	s0 =	sor.u32 s1, s0  }
0xbd: {  	s0 =	sadd.s32 $0x8F2B, s0  }
0xbe: {  	[sflag:s0] =	ssyncadd.remote.s32 $0x1  }
0xbf: {  	_ =	sfence.sel $0xFFFF  }
0xc0: {  	[dreg:$0x0] =	wrdreg $0xFFFFFFFF;
	(pc) =	sbr.abs _section_cstart, $3  }
0xc1: {  	[dreg:$0x1] =	wrdreg $0xFFFFFFFF  }
0xc2: {  	_ =	task.clear_ibuf [dreg:s7], $0x2FFFF;
	_ =	strace $0x9FFFFFFF  }
0xc3: {  	(tm) =	ssettm $0x7FFFFFFF  }
tec
execute0_lowered:
.L_overlay_start_1:
0x0: {  	(tag) =	ssettag $0x1  }
0x1: {  	s0 =	rddreg [dreg:$0x0]  }
0x2: {  	s1 =	rddreg [dreg:$0x1]  }
0x3: {  	s8 =	rddreg [dreg:$0x2]  }
0x4: {  	s11 =	stileid.u32;
	s10 =	simm.s32 $0x0;
	s3 =	srdreg.scid  }
0x5: {  	s12 =	simm.s32 $0x200;
	s13 =	simm.s32 $0x400;
	s14 =	simm.s32 $0x600  }
0x6: {  	s15 =	simm.s32 $0x800;
	s16 =	simm.s32 $0xA00;
	s17 =	simm.s32 $0xC00  }
0x7: {  	s18 =	simm.s32 $0xE00;
	s19 =	simm.s32 $0x1000;
	s20 =	simm.s32 $0x1200  }
0x8: {  	s21 =	simm.s32 $0x1400;
	s22 =	simm.s32 $0x1600;
	s23 =	simm.s32 $0x1800  }
0x9: {  	s24 =	simm.s32 $0x1A00;
	s25 =	simm.s32 $0x1C00;
	s28 =	simm.s32 $0x2000  }
0xa: {  	p0 =	por $0x0, $0x0;
	s29 =	simm.s32 $0x2200;
	s30 =	simm.s32 $0x2400  }
0xb: {  	s31 =	simm.s32 $0x2600;
	s2 =	smul.u32 $0x280, s11;
	[smem:$0x7FF] =	sst s10  }
0xc: {  	s3 =	sand.u32 $0x1, s3;
	s5 =	smul.u32 $0x500, s11;
	s7 =	sadd.s32 $0x1E00, s1  }
0xd: {  	_ =	strace $0x80000047;
	s6 =	sshll.u32 s3, $0x4;
	s9 =	sshll.u32 s3, $0x7  }
0xe: {  	s3 =	ssub.s32 $0x2, s3;
	[dreg:$0x4] =	wrdreg s7;
	s7 =	sshll.u32 s11, $0x6  }
0xf: {  	s4 =	sshrl.u32 s2, $0x3;
	s6 =	sor.u32 s11, s6;
	s5 =	sor.u32 s9, s5  }
0x10: {  	s26 =	sshrl.u32 s3, $0x1;
	s11 =	simm.s32 $0x2800;
	s4 =	sadd.s32 s4, s1  }
0x11: {  	s6 =	smul.u32 $0x500, s6;
	s5 =	sshrl.u32 s5, $0x3;
	s3 =	ssub.s32 s3, s26  }
0x12: {  	s26 =	simm.s32 $0x1E00;
	s1 =	sadd.s32 s5, s1;
	s9 =	smax.u32 s3, $0x1  }
0x13: {  	s5 =	sadd.s32 s2, s8;
	s2 =	sor.u32 $0x1C03, s7;
	p1 =	sne.s32 s9, $0x1  }
.Ltmp0:
0x14: {  	s3 =	simm.s32 $0x3;
	s0 =	sadd.s32 s0, s6;
	(pc) =	sbr.rel @!p1 .LBB2_3-.Ltmp0, $4  }
0x15: {  	s7 =	simm.s32 $0x10;
	s6 =	sadd.s32 $0x1800, s4;
	[dreg:$0x5] =	wrdreg s0  }
0x16: {  	s1 =	sadd.s32 $0x2000, s1;
	s4 =	sshrl.u32 s5, $0x3;
	[dreg:$0x6] =	wrdreg s6  }
0x17: {  	s5 =	simm.s32 $0x1;
	[dreg:$0x7] =	wrdreg s1;
	s0 =	sadd.s32 $0xFFFFFFFF, s9  }
0x18: {  	s9 =	simm.s32 $0x2;
	s6 =	simm.s32 $0x20;
	s1 =	rddreg [dreg:$0x5]  }
0x19: {  	[dreg:$0x8] =	wrdreg s0  }
0x1a: {  	s0 =	rddreg [dreg:$0x4]  }
0x1b: {  	[tilespmem:s10], [sflag:$0x1] =	stream.linear.gather [hbm4b:s1+s10], $0x2800, $0x38;
	[tilespmem:$0x2C80] =	vst v63  }
0x1c: {  	s1 =	rddreg [dreg:$0x6]  }
0x1d: {  	[tilespmem:s11], [sflag:$0x1] =	stream.linear.gather [hbm4b:s0+s10], $0x200, $0x38;
	[tilespmem:$0x2C80] =	vst v63  }
0x1e: {  	[spmem:s4], [sflag:s2] =	dma.local [hbm:s1], $0x50  }
0x1f: {  	_ =	swait.ge [sflag:s3], $0x50  }
0x20: {  	[sflag:s3] =	ssyncset.done $0x0  }
0x21: {  	[sflag:s3] =	ssyncadd.s32 $0xFFFFFFB0  }
0x22: {  	_ =	swait.ge [sflag:s5], $0x2800  }
0x23: {  	[sflag:s5] =	ssyncset.done $0x0  }
0x24: {  	[sflag:s5] =	ssyncadd.s32 $0xFFFFD800  }
0x25: {  	_ =	swait.ge [sflag:s5], $0x200  }
0x26: {  	[sflag:s5] =	ssyncset.done $0x0  }
0x27: {  	[sflag:s5] =	ssyncadd.s32 $0xFFFFFE00  }
0x28: {  	[bflag:$0x0] =	sbarrier.arrive $0xFFFF  }
0x29: {  	[spmem:s8] =	stream.indirect.scatter.add.f32 [tilespmem:s11], [sflag:$0x2], $0x1, s10, s12, $0xb8;
	[tilespmem:$0x2C80] =	vst v63  }
0x2a: {  	_ = 	snop  }
0x2b: {  	[spmem:s8] =	stream.indirect.scatter.add.f32 [tilespmem:s11], [sflag:$0x2], $0x1, s12, s12, $0xb8;
	[tilespmem:$0x2C80] =	vst v63  }
0x2c: {  	_ = 	snop  }
0x2d: {  	[spmem:s8] =	stream.indirect.scatter.add.f32 [tilespmem:s11], [sflag:$0x2], $0x1, s13, s12, $0xb8;
	[tilespmem:$0x2C80] =	vst v63  }
0x2e: {  	_ = 	snop  }
0x2f: {  	[spmem:s8] =	stream.indirect.scatter.add.f32 [tilespmem:s11], [sflag:$0x2], $0x1, s14, s12, $0xb8;
	[tilespmem:$0x2C80] =	vst v63  }
0x30: {  	_ = 	snop  }
0x31: {  	[spmem:s8] =	stream.indirect.scatter.add.f32 [tilespmem:s11], [sflag:$0x2], $0x1, s15, s12, $0xb8;
	[tilespmem:$0x2C80] =	vst v63  }
0x32: {  	_ = 	snop  }
0x33: {  	[spmem:s8] =	stream.indirect.scatter.add.f32 [tilespmem:s11], [sflag:$0x2], $0x1, s16, s12, $0xb8;
	[tilespmem:$0x2C80] =	vst v63  }
0x34: {  	_ = 	snop  }
0x35: {  	[spmem:s8] =	stream.indirect.scatter.add.f32 [tilespmem:s11], [sflag:$0x2], $0x1, s17, s12, $0xb8;
	[tilespmem:$0x2C80] =	vst v63  }
0x36: {  	_ = 	snop  }
0x37: {  	[spmem:s8] =	stream.indirect.scatter.add.f32 [tilespmem:s11], [sflag:$0x2], $0x1, s18, s12, $0xb8;
	[tilespmem:$0x2C80] =	vst v63  }
0x38: {  	_ = 	snop  }
0x39: {  	[spmem:s8] =	stream.indirect.scatter.add.f32 [tilespmem:s11], [sflag:$0x2], $0x1, s19, s12, $0xb8;
	[tilespmem:$0x2C80] =	vst v63  }
0x3a: {  	_ = 	snop  }
0x3b: {  	[spmem:s8] =	stream.indirect.scatter.add.f32 [tilespmem:s11], [sflag:$0x2], $0x1, s20, s12, $0xb8;
	[tilespmem:$0x2C80] =	vst v63  }
0x3c: {  	_ = 	snop  }
0x3d: {  	[spmem:s8] =	stream.indirect.scatter.add.f32 [tilespmem:s11], [sflag:$0x2], $0x1, s21, s12, $0xb8;
	[tilespmem:$0x2C80] =	vst v63  }
0x3e: {  	_ = 	snop  }
0x3f: {  	[spmem:s8] =	stream.indirect.scatter.add.f32 [tilespmem:s11], [sflag:$0x2], $0x1, s22, s12, $0xb8;
	[tilespmem:$0x2C80] =	vst v63  }
0x40: {  	_ = 	snop  }
0x41: {  	[spmem:s8] =	stream.indirect.scatter.add.f32 [tilespmem:s11], [sflag:$0x2], $0x1, s23, s12, $0xb8;
	[tilespmem:$0x2C80] =	vst v63  }
0x42: {  	_ = 	snop  }
0x43: {  	[spmem:s8] =	stream.indirect.scatter.add.f32 [tilespmem:s11], [sflag:$0x2], $0x1, s24, s12, $0xb8;
	[tilespmem:$0x2C80] =	vst v63  }
0x44: {  	_ = 	snop  }
0x45: {  	[spmem:s8] =	stream.indirect.scatter.add.f32 [tilespmem:s11], [sflag:$0x2], $0x1, s25, s12, $0xb8;
	[tilespmem:$0x2C80] =	vst v63  }
0x46: {  	_ = 	snop  }
0x47: {  	[spmem:s8] =	stream.indirect.scatter.add.f32 [tilespmem:s11], [sflag:$0x2], $0x1, s26, s12, $0xb8;
	[tilespmem:$0x2C80] =	vst v63  }
0x48: {  	_ = 	snop  }
0x49: {  	[spmem:s8] =	stream.indirect.scatter.add.f32 [tilespmem:s11], [sflag:$0x2], $0x1, s28, s12, $0xb8;
	[tilespmem:$0x2C80] =	vst v63  }
0x4a: {  	_ = 	snop  }
0x4b: {  	[spmem:s8] =	stream.indirect.scatter.add.f32 [tilespmem:s11], [sflag:$0x2], $0x1, s29, s12, $0xb8;
	[tilespmem:$0x2C80] =	vst v63  }
0x4c: {  	_ = 	snop  }
0x4d: {  	[spmem:s8] =	stream.indirect.scatter.add.f32 [tilespmem:s11], [sflag:$0x2], $0x1, s30, s12, $0xb8;
	[tilespmem:$0x2C80] =	vst v63  }
0x4e: {  	_ = 	snop  }
0x4f: {  	[spmem:s8] =	stream.indirect.scatter.add.f32 [tilespmem:s11], [sflag:$0x2], $0x1, s31, s12, $0xb8;
	[tilespmem:$0x2C80] =	vst v63  }
0x50: {  	_ =	swait.ge [sflag:s9], $0x200  }
0x51: {  	[sflag:s9] =	ssyncset.done $0x0  }
0x52: {  	[sflag:s9] =	ssyncadd.s32 $0xFFFFFE00  }
0x53: {  	_ =	swait.ge [sflag:s9], $0x200  }
0x54: {  	[sflag:s9] =	ssyncset.done $0x0  }
0x55: {  	[sflag:s9] =	ssyncadd.s32 $0xFFFFFE00  }
0x56: {  	_ =	swait.ge [sflag:s9], $0x200  }
0x57: {  	[sflag:s9] =	ssyncset.done $0x0  }
0x58: {  	[sflag:s9] =	ssyncadd.s32 $0xFFFFFE00  }
0x59: {  	_ =	swait.ge [sflag:s9], $0x200  }
0x5a: {  	[sflag:s9] =	ssyncset.done $0x0  }
0x5b: {  	[sflag:s9] =	ssyncadd.s32 $0xFFFFFE00  }
0x5c: {  	_ =	swait.ge [sflag:s9], $0x200  }
0x5d: {  	[sflag:s9] =	ssyncset.done $0x0  }
0x5e: {  	[sflag:s9] =	ssyncadd.s32 $0xFFFFFE00  }
0x5f: {  	_ =	swait.ge [sflag:s9], $0x200  }
0x60: {  	[sflag:s9] =	ssyncset.done $0x0  }
0x61: {  	[sflag:s9] =	ssyncadd.s32 $0xFFFFFE00  }
0x62: {  	_ =	swait.ge [sflag:s9], $0x200  }
0x63: {  	[sflag:s9] =	ssyncset.done $0x0  }
0x64: {  	[sflag:s9] =	ssyncadd.s32 $0xFFFFFE00  }
0x65: {  	_ =	swait.ge [sflag:s9], $0x200  }
0x66: {  	[sflag:s9] =	ssyncset.done $0x0  }
0x67: {  	[sflag:s9] =	ssyncadd.s32 $0xFFFFFE00  }
0x68: {  	_ =	swait.ge [sflag:s9], $0x200  }
0x69: {  	[sflag:s9] =	ssyncset.done $0x0  }
0x6a: {  	[sflag:s9] =	ssyncadd.s32 $0xFFFFFE00  }
0x6b: {  	_ =	swait.ge [sflag:s9], $0x200  }
0x6c: {  	[sflag:s9] =	ssyncset.done $0x0  }
0x6d: {  	[sflag:s9] =	ssyncadd.s32 $0xFFFFFE00  }
0x6e: {  	_ =	swait.ge [sflag:s9], $0x200  }
0x6f: {  	[sflag:s9] =	ssyncset.done $0x0  }
0x70: {  	[sflag:s9] =	ssyncadd.s32 $0xFFFFFE00  }
0x71: {  	_ =	swait.ge [sflag:s9], $0x200  }
0x72: {  	[sflag:s9] =	ssyncset.done $0x0  }
0x73: {  	[sflag:s9] =	ssyncadd.s32 $0xFFFFFE00  }
0x74: {  	_ =	swait.ge [sflag:s9], $0x200  }
0x75: {  	[sflag:s9] =	ssyncset.done $0x0  }
0x76: {  	[sflag:s9] =	ssyncadd.s32 $0xFFFFFE00  }
0x77: {  	_ =	swait.ge [sflag:s9], $0x200  }
0x78: {  	[sflag:s9] =	ssyncset.done $0x0  }
0x79: {  	[sflag:s9] =	ssyncadd.s32 $0xFFFFFE00  }
0x7a: {  	_ =	swait.ge [sflag:s9], $0x200  }
0x7b: {  	[sflag:s9] =	ssyncset.done $0x0  }
0x7c: {  	[sflag:s9] =	ssyncadd.s32 $0xFFFFFE00  }
0x7d: {  	_ =	swait.ge [sflag:s9], $0x200  }
0x7e: {  	[sflag:s9] =	ssyncset.done $0x0  }
0x7f: {  	[sflag:s9] =	ssyncadd.s32 $0xFFFFFE00  }
0x80: {  	_ =	swait.ge [sflag:s9], $0x200  }
0x81: {  	[sflag:s9] =	ssyncset.done $0x0  }
0x82: {  	[sflag:s9] =	ssyncadd.s32 $0xFFFFFE00  }
0x83: {  	_ =	swait.ge [sflag:s9], $0x200  }
0x84: {  	[sflag:s9] =	ssyncset.done $0x0  }
0x85: {  	[sflag:s9] =	ssyncadd.s32 $0xFFFFFE00  }
0x86: {  	_ =	swait.ge [sflag:s9], $0x200  }
0x87: {  	[sflag:s9] =	ssyncset.done $0x0  }
0x88: {  	[sflag:s9] =	ssyncadd.s32 $0xFFFFFE00  }
0x89: {  	_ =	swait.ge [sflag:s9], $0x200  }
0x8a: {  	[sflag:s9] =	ssyncset.done $0x0  }
0x8b: {  	[sflag:s9] =	ssyncadd.s32 $0xFFFFFE00  }
0x8c: {  	[bflag:$0x0] =	sbarrier.arrive $0xFFFF  }
0x8d: {  	s1 =	rddreg [dreg:$0x7]  }
0x8e: {  	[hbm:s1@s6], [sflag:s2] =	dma.strided [spmem:s4@s7], $0x50, s5, $0x10   }
0x8f: {  	s0 =	rddreg [dreg:$0x8]  }
0x90: {  	p1 =	sne.s32 s0, $0x1  }
.Ltmp1:
0x91: {  	_ = 	snop;
	(pc) =	sbr.rel @!p1 .LBB2_3-.Ltmp1, $3  }
0x92: {  	_ =	sdelay $0x1  }
0x93: {  	p0 =	por $0x1, $0x1;
	_ =	swait.ge [sflag:s3], $0x50  }
0x94: {  	s0 =	sadd.s32 $0xFFFFFFFF, s0;
	s1 =	rddreg [dreg:$0x5];
	[sflag:s3] =	ssyncset.done $0x0  }
.LBB2_2:
0x95: {  	s6 =	rddreg [dreg:$0x6];
	[sflag:s3] =	ssyncadd.s32 $0xFFFFFFB0  }
0x96: {  	[tilespmem:s10], [sflag:$0x1] =	stream.linear.gather [hbm4b:s1+s10], $0x2800, $0x38;
	[tilespmem:$0x2C80] =	vst v63  }
0x97: {  	s7 =	rddreg [dreg:$0x4]  }
0x98: {  	[tilespmem:s11], [sflag:$0x1] =	stream.linear.gather [hbm4b:s7+s10], $0x200, $0x38;
	[tilespmem:$0x2C80] =	vst v63  }
0x99: {  	[spmem:s4], [sflag:s2] =	dma.local [hbm:s6], $0x50  }
0x9a: {  	_ =	swait.ge [sflag:s3], $0x50  }
0x9b: {  	[sflag:s3] =	ssyncset.done $0x0  }
0x9c: {  	[sflag:s3] =	ssyncadd.s32 $0xFFFFFFB0  }
0x9d: {  	_ =	swait.ge [sflag:s5], $0x2800  }
0x9e: {  	[sflag:s5] =	ssyncset.done $0x0  }
0x9f: {  	[sflag:s5] =	ssyncadd.s32 $0xFFFFD800  }
0xa0: {  	_ =	swait.ge [sflag:s5], $0x200  }
0xa1: {  	[sflag:s5] =	ssyncset.done $0x0  }
0xa2: {  	[sflag:s5] =	ssyncadd.s32 $0xFFFFFE00  }
0xa3: {  	[bflag:$0x0] =	sbarrier.arrive $0xFFFF  }
0xa4: {  	[spmem:s8] =	stream.indirect.scatter.add.f32 [tilespmem:s11], [sflag:$0x2], $0x1, s10, s12, $0xb8;
	[tilespmem:$0x2C80] =	vst v63  }
0xa5: {  	_ = 	snop  }
0xa6: {  	[spmem:s8] =	stream.indirect.scatter.add.f32 [tilespmem:s11], [sflag:$0x2], $0x1, s12, s12, $0xb8;
	[tilespmem:$0x2C80] =	vst v63  }
0xa7: {  	_ = 	snop  }
0xa8: {  	[spmem:s8] =	stream.indirect.scatter.add.f32 [tilespmem:s11], [sflag:$0x2], $0x1, s13, s12, $0xb8;
	[tilespmem:$0x2C80] =	vst v63  }
0xa9: {  	_ = 	snop  }
0xaa: {  	[spmem:s8] =	stream.indirect.scatter.add.f32 [tilespmem:s11], [sflag:$0x2], $0x1, s14, s12, $0xb8;
	[tilespmem:$0x2C80] =	vst v63  }
0xab: {  	_ = 	snop  }
0xac: {  	[spmem:s8] =	stream.indirect.scatter.add.f32 [tilespmem:s11], [sflag:$0x2], $0x1, s15, s12, $0xb8;
	[tilespmem:$0x2C80] =	vst v63  }
0xad: {  	_ = 	snop  }
0xae: {  	[spmem:s8] =	stream.indirect.scatter.add.f32 [tilespmem:s11], [sflag:$0x2], $0x1, s16, s12, $0xb8;
	[tilespmem:$0x2C80] =	vst v63  }
0xaf: {  	_ = 	snop  }
0xb0: {  	[spmem:s8] =	stream.indirect.scatter.add.f32 [tilespmem:s11], [sflag:$0x2], $0x1, s17, s12, $0xb8;
	[tilespmem:$0x2C80] =	vst v63  }
0xb1: {  	_ = 	snop  }
0xb2: {  	[spmem:s8] =	stream.indirect.scatter.add.f32 [tilespmem:s11], [sflag:$0x2], $0x1, s18, s12, $0xb8;
	[tilespmem:$0x2C80] =	vst v63  }
0xb3: {  	_ = 	snop  }
0xb4: {  	[spmem:s8] =	stream.indirect.scatter.add.f32 [tilespmem:s11], [sflag:$0x2], $0x1, s19, s12, $0xb8;
	[tilespmem:$0x2C80] =	vst v63  }
0xb5: {  	_ = 	snop  }
0xb6: {  	[spmem:s8] =	stream.indirect.scatter.add.f32 [tilespmem:s11], [sflag:$0x2], $0x1, s20, s12, $0xb8;
	[tilespmem:$0x2C80] =	vst v63  }
0xb7: {  	_ = 	snop  }
0xb8: {  	[spmem:s8] =	stream.indirect.scatter.add.f32 [tilespmem:s11], [sflag:$0x2], $0x1, s21, s12, $0xb8;
	[tilespmem:$0x2C80] =	vst v63  }
0xb9: {  	_ = 	snop  }
0xba: {  	[spmem:s8] =	stream.indirect.scatter.add.f32 [tilespmem:s11], [sflag:$0x2], $0x1, s22, s12, $0xb8;
	[tilespmem:$0x2C80] =	vst v63  }
0xbb: {  	_ = 	snop  }
0xbc: {  	[spmem:s8] =	stream.indirect.scatter.add.f32 [tilespmem:s11], [sflag:$0x2], $0x1, s23, s12, $0xb8;
	[tilespmem:$0x2C80] =	vst v63  }
0xbd: {  	_ = 	snop  }
0xbe: {  	[spmem:s8] =	stream.indirect.scatter.add.f32 [tilespmem:s11], [sflag:$0x2], $0x1, s24, s12, $0xb8;
	[tilespmem:$0x2C80] =	vst v63  }
0xbf: {  	_ = 	snop  }
0xc0: {  	[spmem:s8] =	stream.indirect.scatter.add.f32 [tilespmem:s11], [sflag:$0x2], $0x1, s25, s12, $0xb8;
	[tilespmem:$0x2C80] =	vst v63  }
0xc1: {  	_ = 	snop  }
0xc2: {  	[spmem:s8] =	stream.indirect.scatter.add.f32 [tilespmem:s11], [sflag:$0x2], $0x1, s26, s12, $0xb8;
	[tilespmem:$0x2C80] =	vst v63  }
0xc3: {  	_ = 	snop  }
0xc4: {  	[spmem:s8] =	stream.indirect.scatter.add.f32 [tilespmem:s11], [sflag:$0x2], $0x1, s28, s12, $0xb8;
	[tilespmem:$0x2C80] =	vst v63  }
0xc5: {  	_ = 	snop  }
0xc6: {  	[spmem:s8] =	stream.indirect.scatter.add.f32 [tilespmem:s11], [sflag:$0x2], $0x1, s29, s12, $0xb8;
	[tilespmem:$0x2C80] =	vst v63  }
0xc7: {  	_ = 	snop  }
0xc8: {  	[spmem:s8] =	stream.indirect.scatter.add.f32 [tilespmem:s11], [sflag:$0x2], $0x1, s30, s12, $0xb8;
	[tilespmem:$0x2C80] =	vst v63  }
0xc9: {  	_ = 	snop  }
0xca: {  	[spmem:s8] =	stream.indirect.scatter.add.f32 [tilespmem:s11], [sflag:$0x2], $0x1, s31, s12, $0xb8;
	[tilespmem:$0x2C80] =	vst v63  }
0xcb: {  	_ =	swait.ge [sflag:s9], $0x200  }
0xcc: {  	[sflag:s9] =	ssyncset.done $0x0  }
0xcd: {  	[sflag:s9] =	ssyncadd.s32 $0xFFFFFE00  }
0xce: {  	_ =	swait.ge [sflag:s9], $0x200  }
0xcf: {  	[sflag:s9] =	ssyncset.done $0x0  }
0xd0: {  	[sflag:s9] =	ssyncadd.s32 $0xFFFFFE00  }
0xd1: {  	_ =	swait.ge [sflag:s9], $0x200  }
0xd2: {  	[sflag:s9] =	ssyncset.done $0x0  }
0xd3: {  	[sflag:s9] =	ssyncadd.s32 $0xFFFFFE00  }
0xd4: {  	_ =	swait.ge [sflag:s9], $0x200  }
0xd5: {  	[sflag:s9] =	ssyncset.done $0x0  }
0xd6: {  	[sflag:s9] =	ssyncadd.s32 $0xFFFFFE00  }
0xd7: {  	_ =	swait.ge [sflag:s9], $0x200  }
0xd8: {  	[sflag:s9] =	ssyncset.done $0x0  }
0xd9: {  	[sflag:s9] =	ssyncadd.s32 $0xFFFFFE00  }
0xda: {  	_ =	swait.ge [sflag:s9], $0x200  }
0xdb: {  	[sflag:s9] =	ssyncset.done $0x0  }
0xdc: {  	[sflag:s9] =	ssyncadd.s32 $0xFFFFFE00  }
0xdd: {  	_ =	swait.ge [sflag:s9], $0x200  }
0xde: {  	[sflag:s9] =	ssyncset.done $0x0  }
0xdf: {  	[sflag:s9] =	ssyncadd.s32 $0xFFFFFE00  }
0xe0: {  	_ =	swait.ge [sflag:s9], $0x200  }
0xe1: {  	[sflag:s9] =	ssyncset.done $0x0  }
0xe2: {  	[sflag:s9] =	ssyncadd.s32 $0xFFFFFE00  }
0xe3: {  	_ =	swait.ge [sflag:s9], $0x200  }
0xe4: {  	[sflag:s9] =	ssyncset.done $0x0  }
0xe5: {  	[sflag:s9] =	ssyncadd.s32 $0xFFFFFE00  }
0xe6: {  	_ =	swait.ge [sflag:s9], $0x200  }
0xe7: {  	[sflag:s9] =	ssyncset.done $0x0  }
0xe8: {  	[sflag:s9] =	ssyncadd.s32 $0xFFFFFE00  }
0xe9: {  	_ =	swait.ge [sflag:s9], $0x200  }
0xea: {  	[sflag:s9] =	ssyncset.done $0x0  }
0xeb: {  	[sflag:s9] =	ssyncadd.s32 $0xFFFFFE00  }
0xec: {  	_ =	swait.ge [sflag:s9], $0x200  }
0xed: {  	[sflag:s9] =	ssyncset.done $0x0  }
0xee: {  	[sflag:s9] =	ssyncadd.s32 $0xFFFFFE00  }
0xef: {  	_ =	swait.ge [sflag:s9], $0x200  }
0xf0: {  	[sflag:s9] =	ssyncset.done $0x0  }
0xf1: {  	[sflag:s9] =	ssyncadd.s32 $0xFFFFFE00  }
0xf2: {  	_ =	swait.ge [sflag:s9], $0x200  }
0xf3: {  	[sflag:s9] =	ssyncset.done $0x0  }
0xf4: {  	[sflag:s9] =	ssyncadd.s32 $0xFFFFFE00  }
0xf5: {  	_ =	swait.ge [sflag:s9], $0x200  }
0xf6: {  	[sflag:s9] =	ssyncset.done $0x0  }
0xf7: {  	[sflag:s9] =	ssyncadd.s32 $0xFFFFFE00  }
0xf8: {  	_ =	swait.ge [sflag:s9], $0x200  }
0xf9: {  	[sflag:s9] =	ssyncset.done $0x0  }
0xfa: {  	[sflag:s9] =	ssyncadd.s32 $0xFFFFFE00  }
0xfb: {  	_ =	swait.ge [sflag:s9], $0x200  }
0xfc: {  	[sflag:s9] =	ssyncset.done $0x0  }
0xfd: {  	[sflag:s9] =	ssyncadd.s32 $0xFFFFFE00  }
0xfe: {  	_ =	swait.ge [sflag:s9], $0x200  }
0xff: {  	[sflag:s9] =	ssyncset.done $0x0  }
0x100: {  	[sflag:s9] =	ssyncadd.s32 $0xFFFFFE00  }
0x101: {  	_ =	swait.ge [sflag:s9], $0x200  }
0x102: {  	[sflag:s9] =	ssyncset.done $0x0  }
0x103: {  	[sflag:s9] =	ssyncadd.s32 $0xFFFFFE00  }
0x104: {  	_ =	swait.ge [sflag:s9], $0x200  }
0x105: {  	[sflag:s9] =	ssyncset.done $0x0  }
0x106: {  	p1 =	sne.s32 s0, $0x1;
	[sflag:s9] =	ssyncadd.s32 $0xFFFFFE00  }
.Ltmp2:
0x107: {  	[bflag:$0x0] =	sbarrier.arrive $0xFFFF;
	(pc) =	sbr.rel @p1 .LBB2_2-.Ltmp2, $4  }
0x108: {  	s7 =	simm.s32 $0x10;
	s6 =	simm.s32 $0x20;
	s1 =	rddreg [dreg:$0x7]  }
0x109: {  	[hbm:s1@s6], [sflag:s2] =	dma.strided [spmem:s4@s7], $0x50, s5, $0x10   }
0x10a: {  	_ =	swait.ge [sflag:s3], $0x50  }
0x10b: {  	s0 =	sadd.s32 $0xFFFFFFFF, s0;
	s1 =	rddreg [dreg:$0x5];
	[sflag:s3] =	ssyncset.done $0x0  }
.LBB2_3:
0x10c: {  	[sflag:s3] =	ssyncadd.s32 @p0 $0xFFFFFFB0;
	s0 =	rddreg [dreg:$0x4]  }
0x10d: {  	[tilespmem:s10], [sflag:$0x1] =	stream.linear.gather [hbm4b:s1+s10], $0x2800, $0x38;
	[tilespmem:$0x2C80] =	vst v63  }
0x10e: {  	s1 =	rddreg [dreg:$0x6]  }
0x10f: {  	[tilespmem:s11], [sflag:$0x1] =	stream.linear.gather [hbm4b:s0+s10], $0x200, $0x38;
	[tilespmem:$0x2C80] =	vst v63  }
0x110: {  	[spmem:s4], [sflag:s2] =	dma.local [hbm:s1], $0x50  }
0x111: {  	_ =	swait.ge [sflag:s3], $0x50  }
0x112: {  	[sflag:s3] =	ssyncset.done $0x0  }
0x113: {  	[sflag:s3] =	ssyncadd.s32 $0xFFFFFFB0  }
0x114: {  	_ =	swait.ge [sflag:s5], $0x2800  }
0x115: {  	[sflag:s5] =	ssyncset.done $0x0  }
0x116: {  	[sflag:s5] =	ssyncadd.s32 $0xFFFFD800  }
0x117: {  	_ =	swait.ge [sflag:s5], $0x200  }
0x118: {  	[sflag:s5] =	ssyncset.done $0x0  }
0x119: {  	[sflag:s5] =	ssyncadd.s32 $0xFFFFFE00  }
0x11a: {  	[bflag:$0x0] =	sbarrier.arrive $0xFFFF  }
0x11b: {  	[spmem:s8] =	stream.indirect.scatter.add.f32 [tilespmem:s11], [sflag:$0x2], $0x1, s10, s12, $0xb8;
	[tilespmem:$0x2C80] =	vst v63  }
0x11c: {  	_ = 	snop  }
0x11d: {  	[spmem:s8] =	stream.indirect.scatter.add.f32 [tilespmem:s11], [sflag:$0x2], $0x1, s12, s12, $0xb8;
	[tilespmem:$0x2C80] =	vst v63  }
0x11e: {  	_ = 	snop  }
0x11f: {  	[spmem:s8] =	stream.indirect.scatter.add.f32 [tilespmem:s11], [sflag:$0x2], $0x1, s13, s12, $0xb8;
	[tilespmem:$0x2C80] =	vst v63  }
0x120: {  	_ = 	snop  }
0x121: {  	[spmem:s8] =	stream.indirect.scatter.add.f32 [tilespmem:s11], [sflag:$0x2], $0x1, s14, s12, $0xb8;
	[tilespmem:$0x2C80] =	vst v63  }
0x122: {  	_ = 	snop  }
0x123: {  	[spmem:s8] =	stream.indirect.scatter.add.f32 [tilespmem:s11], [sflag:$0x2], $0x1, s15, s12, $0xb8;
	[tilespmem:$0x2C80] =	vst v63  }
0x124: {  	_ = 	snop  }
0x125: {  	[spmem:s8] =	stream.indirect.scatter.add.f32 [tilespmem:s11], [sflag:$0x2], $0x1, s16, s12, $0xb8;
	[tilespmem:$0x2C80] =	vst v63  }
0x126: {  	_ = 	snop  }
0x127: {  	[spmem:s8] =	stream.indirect.scatter.add.f32 [tilespmem:s11], [sflag:$0x2], $0x1, s17, s12, $0xb8;
	[tilespmem:$0x2C80] =	vst v63  }
0x128: {  	_ = 	snop  }
0x129: {  	[spmem:s8] =	stream.indirect.scatter.add.f32 [tilespmem:s11], [sflag:$0x2], $0x1, s18, s12, $0xb8;
	[tilespmem:$0x2C80] =	vst v63  }
0x12a: {  	_ = 	snop  }
0x12b: {  	[spmem:s8] =	stream.indirect.scatter.add.f32 [tilespmem:s11], [sflag:$0x2], $0x1, s19, s12, $0xb8;
	[tilespmem:$0x2C80] =	vst v63  }
0x12c: {  	_ = 	snop  }
0x12d: {  	[spmem:s8] =	stream.indirect.scatter.add.f32 [tilespmem:s11], [sflag:$0x2], $0x1, s20, s12, $0xb8;
	[tilespmem:$0x2C80] =	vst v63  }
0x12e: {  	_ = 	snop  }
0x12f: {  	[spmem:s8] =	stream.indirect.scatter.add.f32 [tilespmem:s11], [sflag:$0x2], $0x1, s21, s12, $0xb8;
	[tilespmem:$0x2C80] =	vst v63  }
0x130: {  	_ = 	snop  }
0x131: {  	[spmem:s8] =	stream.indirect.scatter.add.f32 [tilespmem:s11], [sflag:$0x2], $0x1, s22, s12, $0xb8;
	[tilespmem:$0x2C80] =	vst v63  }
0x132: {  	_ = 	snop  }
0x133: {  	[spmem:s8] =	stream.indirect.scatter.add.f32 [tilespmem:s11], [sflag:$0x2], $0x1, s23, s12, $0xb8;
	[tilespmem:$0x2C80] =	vst v63  }
0x134: {  	_ = 	snop  }
0x135: {  	[spmem:s8] =	stream.indirect.scatter.add.f32 [tilespmem:s11], [sflag:$0x2], $0x1, s24, s12, $0xb8;
	[tilespmem:$0x2C80] =	vst v63  }
0x136: {  	_ = 	snop  }
0x137: {  	[spmem:s8] =	stream.indirect.scatter.add.f32 [tilespmem:s11], [sflag:$0x2], $0x1, s25, s12, $0xb8;
	[tilespmem:$0x2C80] =	vst v63  }
0x138: {  	_ = 	snop  }
0x139: {  	[spmem:s8] =	stream.indirect.scatter.add.f32 [tilespmem:s11], [sflag:$0x2], $0x1, s26, s12, $0xb8;
	[tilespmem:$0x2C80] =	vst v63  }
0x13a: {  	_ = 	snop  }
0x13b: {  	[spmem:s8] =	stream.indirect.scatter.add.f32 [tilespmem:s11], [sflag:$0x2], $0x1, s28, s12, $0xb8;
	[tilespmem:$0x2C80] =	vst v63  }
0x13c: {  	_ = 	snop  }
0x13d: {  	[spmem:s8] =	stream.indirect.scatter.add.f32 [tilespmem:s11], [sflag:$0x2], $0x1, s29, s12, $0xb8;
	[tilespmem:$0x2C80] =	vst v63  }
0x13e: {  	_ = 	snop  }
0x13f: {  	[spmem:s8] =	stream.indirect.scatter.add.f32 [tilespmem:s11], [sflag:$0x2], $0x1, s30, s12, $0xb8;
	[tilespmem:$0x2C80] =	vst v63  }
0x140: {  	_ = 	snop  }
0x141: {  	[spmem:s8] =	stream.indirect.scatter.add.f32 [tilespmem:s11], [sflag:$0x2], $0x1, s31, s12, $0xb8;
	[tilespmem:$0x2C80] =	vst v63  }
0x142: {  	_ =	swait.ge [sflag:s9], $0x200  }
0x143: {  	[sflag:s9] =	ssyncset.done $0x0  }
0x144: {  	[sflag:s9] =	ssyncadd.s32 $0xFFFFFE00  }
0x145: {  	_ =	swait.ge [sflag:s9], $0x200  }
0x146: {  	[sflag:s9] =	ssyncset.done $0x0  }
0x147: {  	[sflag:s9] =	ssyncadd.s32 $0xFFFFFE00  }
0x148: {  	_ =	swait.ge [sflag:s9], $0x200  }
0x149: {  	[sflag:s9] =	ssyncset.done $0x0  }
0x14a: {  	[sflag:s9] =	ssyncadd.s32 $0xFFFFFE00  }
0x14b: {  	_ =	swait.ge [sflag:s9], $0x200  }
0x14c: {  	[sflag:s9] =	ssyncset.done $0x0  }
0x14d: {  	[sflag:s9] =	ssyncadd.s32 $0xFFFFFE00  }
0x14e: {  	_ =	swait.ge [sflag:s9], $0x200  }
0x14f: {  	[sflag:s9] =	ssyncset.done $0x0  }
0x150: {  	[sflag:s9] =	ssyncadd.s32 $0xFFFFFE00  }
0x151: {  	_ =	swait.ge [sflag:s9], $0x200  }
0x152: {  	[sflag:s9] =	ssyncset.done $0x0  }
0x153: {  	[sflag:s9] =	ssyncadd.s32 $0xFFFFFE00  }
0x154: {  	_ =	swait.ge [sflag:s9], $0x200  }
0x155: {  	[sflag:s9] =	ssyncset.done $0x0  }
0x156: {  	[sflag:s9] =	ssyncadd.s32 $0xFFFFFE00  }
0x157: {  	_ =	swait.ge [sflag:s9], $0x200  }
0x158: {  	[sflag:s9] =	ssyncset.done $0x0  }
0x159: {  	[sflag:s9] =	ssyncadd.s32 $0xFFFFFE00  }
0x15a: {  	_ =	swait.ge [sflag:s9], $0x200  }
0x15b: {  	[sflag:s9] =	ssyncset.done $0x0  }
0x15c: {  	[sflag:s9] =	ssyncadd.s32 $0xFFFFFE00  }
0x15d: {  	_ =	swait.ge [sflag:s9], $0x200  }
0x15e: {  	[sflag:s9] =	ssyncset.done $0x0  }
0x15f: {  	[sflag:s9] =	ssyncadd.s32 $0xFFFFFE00  }
0x160: {  	_ =	swait.ge [sflag:s9], $0x200  }
0x161: {  	[sflag:s9] =	ssyncset.done $0x0  }
0x162: {  	[sflag:s9] =	ssyncadd.s32 $0xFFFFFE00  }
0x163: {  	_ =	swait.ge [sflag:s9], $0x200  }
0x164: {  	[sflag:s9] =	ssyncset.done $0x0  }
0x165: {  	[sflag:s9] =	ssyncadd.s32 $0xFFFFFE00  }
0x166: {  	_ =	swait.ge [sflag:s9], $0x200  }
0x167: {  	[sflag:s9] =	ssyncset.done $0x0  }
0x168: {  	[sflag:s9] =	ssyncadd.s32 $0xFFFFFE00  }
0x169: {  	_ =	swait.ge [sflag:s9], $0x200  }
0x16a: {  	[sflag:s9] =	ssyncset.done $0x0  }
0x16b: {  	[sflag:s9] =	ssyncadd.s32 $0xFFFFFE00  }
0x16c: {  	_ =	swait.ge [sflag:s9], $0x200  }
0x16d: {  	[sflag:s9] =	ssyncset.done $0x0  }
0x16e: {  	[sflag:s9] =	ssyncadd.s32 $0xFFFFFE00  }
0x16f: {  	_ =	swait.ge [sflag:s9], $0x200  }
0x170: {  	[sflag:s9] =	ssyncset.done $0x0  }
0x171: {  	[sflag:s9] =	ssyncadd.s32 $0xFFFFFE00  }
0x172: {  	_ =	swait.ge [sflag:s9], $0x200  }
0x173: {  	[sflag:s9] =	ssyncset.done $0x0  }
0x174: {  	[sflag:s9] =	ssyncadd.s32 $0xFFFFFE00  }
0x175: {  	_ =	swait.ge [sflag:s9], $0x200  }
0x176: {  	[sflag:s9] =	ssyncset.done $0x0  }
0x177: {  	[sflag:s9] =	ssyncadd.s32 $0xFFFFFE00  }
0x178: {  	_ =	swait.ge [sflag:s9], $0x200  }
0x179: {  	[sflag:s9] =	ssyncset.done $0x0  }
0x17a: {  	[sflag:s9] =	ssyncadd.s32 $0xFFFFFE00  }
0x17b: {  	_ =	swait.ge [sflag:s9], $0x200  }
0x17c: {  	[sflag:s9] =	ssyncset.done $0x0  }
0x17d: {  	[sflag:s9] =	ssyncadd.s32 $0xFFFFFE00  }
0x17e: {  	[bflag:$0x0] =	sbarrier.arrive $0xFFFF  }
0x17f: {  	s30 =	rddreg [dreg:$0x7]  }
0x180: {  	[hbm:s30@s6], [sflag:s2] =	dma.strided [spmem:s4@s7], $0x50, s5, $0x10   }
0x181: {  	_ =	swait.ge [sflag:s3], $0x50  }
0x182: {  	[sflag:s3] =	ssyncset.done $0x0  }
0x183: {  	[sflag:s3] =	ssyncadd.s32 $0xFFFFFFB0  }
0x184: {  	_ =	sfence.sel $0x180000  }
0x185: {  	[bflag:$0x0] =	sbarrier.arrive $0xFFFF  }
0x186: {  	_ =	strace $0x90000047  }
0x187: {  	s31 =	stileid.u32;
	[bflag:$0x2] =	sbarrier.arrive $0xFFFF  }
0x188: {  	p0 =	sne.s32 s31, $0x0;
	s0 =	rddreg [dreg:$0x3]  }
0x189: {  	s0 =	sadd.s32 @!p0 $0x100000, s0  }
0x18a: {  	[sflag:s0] =	ssyncadd.tile.s32 @!p0 $0x1;
	_ =	shalt  }
.Lfunc_end2:
_tile_overlayer_lowered:
.L_overlay_start_2:
0x18b: {  	(tag) =	ssettag $0x2  }
0x18c: {  	s0 =	rddreg [dreg:$0x0];
	s2 =	stileid.u32  }
0x18d: {  	s1 =	rddreg [dreg:$0x1];
	p0 =	sne.s32 s2, $0x0  }
0x18e: {  	s3 =	rddreg [dreg:$0x2];
	[bflag:$0x3] =	sbarrier.arrive $0xFFFF;
	s2 =	simm.s32 @!p0 $0x1C03  }
0x18f: {  	[timem:s3], [sflag:s2] =	dma.local @!p0 [hbm:s0], s1  }
0x190: {  	s0 =	simm.s32 @!p0 $0x3  }
0x191: {  	_ =	swait.ge @!p0 [sflag:s0], s1  }
0x192: {  	s1 =	ssub.s32 @!p0 $0x0, s1;
	[sflag:s0] =	ssyncset.done @!p0 $0x0  }
0x193: {  	[sflag:s0] =	ssyncadd.s32 @!p0 s1  }
0x194: {  	[bflag:$0x3] =	sbarrier.arrive $0xFFFF  }
0x195: {  	_ =	shalt  }

// kernel: kernel.8.cloned.1.call-start
scs
__scs_entry_jumppad:
0x0: {  	(pc) =	sbr.rel $0x88, $3  }
0x1: {  	(tag) =	ssettag $0x0;
	lr =	simm.s32 $0x1  }
0x2: {  	[smem:$0x3F9B] =	sst lr;
	_ =	strace $0xD0000000  }
0x3: {  	_ = 	snop  }
0x4: {  	_ = 	snop  }
0x5: {  	_ = 	snop  }
0x6: {  	_ = 	snop  }
0x7: {  	_ = 	snop  }
__scs_overlays_trampoline_lowered:
0x8: {  	[smem:$0x3FAA] =	sst s0  }
0x9: {  	[smem:$0x3FAB] =	sst s1  }
0xa: {  	[smem:$0x3FAC] =	sst s2  }
0xb: {  	[smem:$0x3FAD] =	sst s3  }
0xc: {  	[smem:$0x3FAE] =	sst s4  }
0xd: {  	[smem:$0x3FAF] =	sst s5  }
0xe: {  	[smem:$0x3FB0] =	sst s6  }
0xf: {  	[smem:$0x3FB1] =	sst s7  }
0x10: {  	[smem:$0x3FB2] =	sst s8  }
0x11: {  	[smem:$0x3FB3] =	sst s9;
	s0 =	simm.s32 @!p0 $0x0  }
0x12: {  	s1 =	sld [smem:$0x3F99];
	s0 =	simm.s32 @p0 $0x1  }
0x13: {  	[smem:$0x3FB4] =	sst s0;
	s0 =	simm.s32 @!p1 $0x0  }
0x14: {  	s2 =	sld [smem:$0x3F98];
	s0 =	simm.s32 @p1 $0x1  }
0x15: {  	[smem:$0x3FB5] =	sst s0;
	s0 =	simm.s32 @!p2 $0x0  }
0x16: {  	s3 =	sld [smem:$0x3FDB];
	s0 =	simm.s32 @p2 $0x1  }
0x17: {  	s4 =	simm.s32 $0x1BF5;
	[smem:$0x3FB7] =	sst s0  }
0x18: {  	s0 =	sld [smem:$0x3F9A];
	_ =	swait.ge [sflag:s4], $0x0  }
0x19: {  	s7 =	sld [smem:$0x3F9B]  }
0x1a: {  	s8 =	sadd.s32 $0xFFFFE003, lr  }
0x1b: {  	s9 =	sadd.s32 $0xFFFFFEF7, lr;
	s5 =	simm.s32 $0xFFFFFFFF;
	p2 =	slt.u32 s8, $0xFFFFF086  }
0x1c: {  	p1 =	slt.u32 s9, $0xF7A;
	s5 =	simm.s32 @!p2 $0x0  }
0x1d: {  	s5 =	simm.s32 @p1 $0x1;
	p0 =	seq.s32 s7, s2  }
0x1e: {  	s7 =	smul.u32 @!p0 $0xF7A, s2;
	p2 =	seq.s32 @!p0 s5, $0x0  }
0x1f: {  	s9 =	smul.u32 $0xF7A, s1;
	s8 =	simm.s32 @!p0 $0x1BF5;
	p2 =	por !p2, p0  }
0x20: {  	[sflag:s8] =	ssyncset.s32 @!p0 $0xFFFFF086;
	s6 =	sadd.s32 @!p0 s3, s7;
	s7 =	simm.s32 @!p0 $0x108  }
0x21: {  	s3 =	sadd.s32 s3, s9;
	s6 =	sadd.s32 @!p0 $0x88, s6;
	s7 =	simm.s32 @p2 $0x1082  }
0x22: {  	[simem:s7], [sflag:s8] =	dma.local @!p0 [hbm:s6], $0xF7A  }
0x23: {  	s9 =	sor.u32 $0xD0000000, s2;
	s6 =	simm.s32 $0x108;
	_ =	swait.ge @!p0 [sflag:s8], $0x0  }
0x24: {  	s3 =	sadd.s32 $0x88, s3;
	s6 =	simm.s32 @!p1 $0x1082;
	[sflag:s4] =	ssyncset.s32 $0xFFFFF086  }
0x25: {  	[simem:s6], [sflag:s4] =	dma.local [hbm:s3], $0xF7A  }
0x26: {  	[smem:$0x3F9B] =	sst s1;
	(tag) =	ssettag s2;
	_ =	strace s9  }
0x27: {  	s1 =	sld [smem:$0x3FAB]  }
0x28: {  	s2 =	sld [smem:$0x3FAC]  }
0x29: {  	s4 =	sld [smem:$0x3FAE]  }
0x2a: {  	p0 =	seq.s32 s5, $0x0;
	s5 =	sld [smem:$0x3FAF]  }
0x2b: {  	s6 =	sld [smem:$0x3FB0]  }
0x2c: {  	s7 =	sld [smem:$0x3FB1]  }
0x2d: {  	s3 =	simm.s32 $0x108;
	s8 =	sld [smem:$0x3FB2]  }
0x2e: {  	s3 =	simm.s32 @!p0 $0x1082;
	s9 =	sld [smem:$0x3FB3]  }
0x2f: {  	lr =	sadd.s32 s0, s3;
	s0 =	sld [smem:$0x3FAA]  }
0x30: {  	s3 =	sld [smem:$0x3FAD]  }
0x31: {  	[smem:$0x3FB6] =	sst s10  }
0x32: {  	s10 =	sld [smem:$0x3FB4];
	_ =	sdelay $0x3  }
0x33: {  	p0 =	seq.s32 s10, $0x1;
	s10 =	sld [smem:$0x3FB6];
	_ =	sdelay $0x3  }
0x34: {  	[smem:$0x3FB6] =	sst s10  }
0x35: {  	s10 =	sld [smem:$0x3FB5];
	_ =	sdelay $0x3  }
0x36: {  	p1 =	seq.s32 s10, $0x1;
	s10 =	sld [smem:$0x3FB6];
	_ =	sdelay $0x3  }
0x37: {  	[smem:$0x3FB6] =	sst s10  }
0x38: {  	s10 =	sld [smem:$0x3FB7]  }
0x39: {  	_ = 	snop;
	(pc) =	sbr.ind lr, $3  }
0x3a: {  	_ = 	snop  }
0x3b: {  	_ = 	snop  }
0x3c: {  	p2 =	seq.s32 s10, $0x1;
	s10 =	sld [smem:$0x3FB6]  }
0x3d: {  	_ =	shalt  }
0x3e: {  	_ =	shalt  }
0x3f: {  	_ =	shalt  }
0x40: {  	_ =	shalt  }
0x41: {  	_ =	shalt  }
0x42: {  	_ =	shalt  }
0x43: {  	_ =	shalt  }
0x44: {  	_ =	shalt  }
0x45: {  	_ =	shalt  }
0x46: {  	_ =	shalt  }
0x47: {  	_ =	shalt  }
0x48: {  	_ =	shalt  }
0x49: {  	_ =	shalt  }
0x4a: {  	_ =	shalt  }
0x4b: {  	_ =	shalt  }
0x4c: {  	_ =	shalt  }
0x4d: {  	_ =	shalt  }
0x4e: {  	_ =	shalt  }
0x4f: {  	_ =	shalt  }
0x50: {  	_ =	shalt  }
0x51: {  	_ =	shalt  }
0x52: {  	_ =	shalt  }
0x53: {  	_ =	shalt  }
0x54: {  	_ =	shalt  }
0x55: {  	_ =	shalt  }
0x56: {  	_ =	shalt  }
0x57: {  	_ =	shalt  }
0x58: {  	_ =	shalt  }
0x59: {  	_ =	shalt  }
0x5a: {  	_ =	shalt  }
0x5b: {  	_ =	shalt  }
0x5c: {  	_ =	shalt  }
0x5d: {  	_ =	shalt  }
0x5e: {  	_ =	shalt  }
0x5f: {  	_ =	shalt  }
0x60: {  	_ =	shalt  }
0x61: {  	_ =	shalt  }
0x62: {  	_ =	shalt  }
0x63: {  	_ =	shalt  }
0x64: {  	_ =	shalt  }
0x65: {  	_ =	shalt  }
0x66: {  	_ =	shalt  }
0x67: {  	_ =	shalt  }
0x68: {  	_ =	shalt  }
0x69: {  	_ =	shalt  }
0x6a: {  	_ =	shalt  }
0x6b: {  	_ =	shalt  }
0x6c: {  	_ =	shalt  }
0x6d: {  	_ =	shalt  }
0x6e: {  	_ =	shalt  }
0x6f: {  	_ =	shalt  }
0x70: {  	_ =	shalt  }
0x71: {  	_ =	shalt  }
0x72: {  	_ =	shalt  }
0x73: {  	_ =	shalt  }
0x74: {  	_ =	shalt  }
0x75: {  	_ =	shalt  }
0x76: {  	_ =	shalt  }
0x77: {  	_ =	shalt  }
0x78: {  	_ =	shalt  }
0x79: {  	_ =	shalt  }
0x7a: {  	_ =	shalt  }
0x7b: {  	_ =	shalt  }
0x7c: {  	_ =	shalt  }
0x7d: {  	_ =	shalt  }
0x7e: {  	_ =	shalt  }
0x7f: {  	_ =	shalt  }
0x80: {  	_ =	shalt  }
0x81: {  	_ =	shalt  }
0x82: {  	_ =	shalt  }
0x83: {  	_ =	shalt  }
0x84: {  	_ =	shalt  }
0x85: {  	_ =	shalt  }
0x86: {  	_ =	shalt  }
0x87: {  	_ =	shalt  }
.Lfunc_end0:
.L_simem_size_0:
called_computation.1_lowered:
.L_overlay_start_0:
0x88: {  	s2 =	sld [smem:$0x3FD9]  }
0x89: {  	s3 =	sld [smem:$0x3FFE];
	_ =	sdelay $0x1  }
0x8a: {  	s1 =	srdreg.scid  }
0x8b: {  	s0 =	sand.u32 $0x1, s1  }
0x8c: {  	s17 =	sshll.u32 s0, $0xA;
	s2 =	sadd.s32 s3, s2  }
0x8d: {  	s2 =	sadd.s32 s2, s17  }
0x8e: {  	[smem:$0x3FC2] =	sst s2  }
0x8f: {  	_ = 	snop  }
0x90: {  	s2 =	sld [smem:$0x3FD0];
	(tm) =	ssettm $0x1  }
0x91: {  	s18 =	sld [smem:$0x3FFB];
	_ =	sdelay $0x3  }
0x92: {  	_ =	strace s18  }
0x93: {  	s3 =	sld [smem:$0x3FFC];
	_ =	sdelay $0x3  }
0x94: {  	_ =	strace s3  }
0x95: {  	s3 =	sld [smem:$0x3FFD];
	_ =	sdelay $0x3  }
0x96: {  	_ =	strace s3  }
0x97: {  	_ =	strace $0x8FFFFFFF  }
0x98: {  	s19 =	sld [smem:$0x3FDB];
	_ =	sdelay $0x1  }
0x99: {  	s4 =	simm.s32 $_scs_section_size  }
0x9a: {  	s5 =	simm.s32 $_size__tile_overlayer_lowered;
	s6 =	simm.s32 $_tile_overlayer_lowered  }
0x9b: {  	s22 =	simm.s32 $0x1BFF;
	s21 =	sshll.u32 s6, $0x1;
	s3 =	sadd.s32 s4, s19  }
0x9c: {  	s7 =	simm.s32 $0x0;
	s20 =	sshll.u32 s5, $0x1;
	s5 =	sadd.s32 s21, s3  }
0x9d: {  	[timem:s7], [sflag:s22] =	dma.local [hbm:s5], s20  }
0x9e: {  	_ =	swait.ge [sflag:s22], s20  }
0x9f: {  	s4 =	ssub.s32 $0x0, s20;
	[sflag:s22] =	ssyncset.done $0x0  }
0xa0: {  	[sflag:s22] =	ssyncadd.s32 s4;
	_ =	sdelay $0x1  }
0xa1: {  	s23 =	simm.s32 $0x1B8B  }
0xa2: {  	_ =	swait.ge [sflag:s23], $0x1  }
0xa3: {  	[sflag:s23] =	ssyncset.done $0x0  }
0xa4: {  	s25 =	simm.s32 $0x1B8E;
	s24 =	sld [smem:$0x3FFE];
	[sflag:s23] =	ssyncadd.s32 $0xFFFFFFFF  }
0xa5: {  	s26 =	simm.s32 $execute0_lowered;
	[smem:$0x3FD2] =	sst s25  }
0xa6: {  	s5 =	sshll.u32 s26, $0x1;
	_ =	strace $0x80000049;
	[dreg:$0x1] =	wrdreg $0xFFFFFFFF  }
0xa7: {  	s28 =	simm.s32 $_size_execute0_lowered;
	s3 =	sadd.s32 s3, s5;
	[dreg:$0x0] =	wrdreg $0x0  }
0xa8: {  	s5 =	sshll.u32 s28, $0x1;
	[dreg:$0x2] =	wrdreg s3  }
0xa9: {  	[dreg:$0x3] =	wrdreg s5  }
0xaa: {  	[dreg:$0x4] =	wrdreg $0xC0  }
0xab: {  	_ =	task [dreg:s7], $0x5FFFF  }
0xac: {  	[dreg:$0x1] =	wrdreg $0xFFFFFFFF  }
0xad: {  	[dreg:$0x0] =	wrdreg $0x60  }
0xae: {  	[dreg:$0x2] =	wrdreg s24  }
0xaf: {  	[dreg:$0x3] =	wrdreg s2  }
0xb0: {  	[dreg:$0x4] =	wrdreg $0x1AC000  }
0xb1: {  	[dreg:$0x5] =	wrdreg $0x9  }
0xb2: {  	_ =	task.clear_ibuf [dreg:s7], $0x6FFFF;
	_ =	strace $0x90000049  }
0xb3: {  	s29 =	simm.s32 $0x9;
	_ =	strace $0x8000004B  }
0xb4: {  	_ =	swait.ge [sflag:s29], $0x1  }
0xb5: {  	[sflag:s29] =	ssyncadd.s32 $0xFFFFFFFF  }
0xb6: {  	_ =	strace $0x9000004B  }
0xb7: {  	_ =	sfence  }
0xb8: {  	s30 =	sld [smem:$0x0];
	_ =	sdelay $0x2  }
0xb9: {  	s31 =	sshll.u32 s1, $0xD;
	s1 =	sshrl.u32 s1, $0x2  }
0xba: {  	s3 =	sand.u32 $0x4000, s31;
	s1 =	sadd.s32 s1, s30  }
0xbb: {  	s0 =	sor.u32 s3, s0;
	s1 =	sshll.u32 s1, $0x11  }
0xbc: {  	s0 =	sor.u32 s1, s0  }
0xbd: {  	s0 =	sadd.s32 $0x8F2B, s0  }
0xbe: {  	[sflag:s0] =	ssyncadd.remote.s32 $0x1  }
0xbf: {  	_ =	sfence.sel $0xFFFF  }
0xc0: {  	[dreg:$0x0] =	wrdreg $0xFFFFFFFF;
	(pc) =	sbr.abs _section_cstart, $3  }
0xc1: {  	[dreg:$0x1] =	wrdreg $0xFFFFFFFF  }
0xc2: {  	_ =	task.clear_ibuf [dreg:s7], $0x2FFFF;
	_ =	strace $0x9FFFFFFF  }
0xc3: {  	(tm) =	ssettm $0x7FFFFFFF  }
tec
execute0_lowered:
.L_overlay_start_1:
0x0: {  	(tag) =	ssettag $0x1  }
0x1: {  	s0 =	rddreg [dreg:$0x0]  }
0x2: {  	s1 =	rddreg [dreg:$0x1]  }
0x3: {  	s2 =	rddreg [dreg:$0x2];
	s3 =	simm.s32 $0x0  }
0x4: {  	s4 =	stileid.u32;
	s6 =	srdreg.scid;
	s31 =	simm.s32 $0x4  }
0x5: {  	s29 =	simm.s32 $0x8;
	[smem:$0x7FF] =	sst s3;
	s7 =	smul.u32 $0x5000, s4  }
0x6: {  	s8 =	sadd.s32 $0x15800, s0;
	s17 =	smul.u32 $0xA00, s4;
	s14 =	sadd.s32 $0x1800, s0  }
0x7: {  	s6 =	sand.u32 $0x1, s6;
	s13 =	sadd.s32 $0x48A00, s0;
	s15 =	sadd.s32 $0x52A00, s0  }
0x8: {  	s10 =	smul.u32 $0x280, s4;
	_ =	strace $0x8000004A;
	[dreg:$0x8] =	wrdreg s13  }
0x9: {  	s20 =	smul.u32 $0xA000, s4;
	s30 =	sshll.u32 s4, $0x6;
	[dreg:$0x4] =	wrdreg s8  }
0xa: {  	s12 =	ssub.s32 $0x2, s6;
	s16 =	sshll.u32 s6, $0x5;
	[dreg:$0x5] =	wrdreg s14  }
0xb: {  	s5 =	sshrl.u32 s7, $0x3;
	s3 =	sadd.s32 s17, s0;
	s18 =	sshrl.u32 s12, $0x1  }
0xc: {  	s22 =	sadd.s32 $0xA0, s10;
	s11 =	sadd.s32 s5, s0;
	s0 =	sadd.s32 $0x66A00, s0  }
0xd: {  	s24 =	sadd.s32 $0x140, s10;
	s9 =	sadd.s32 $0x34A00, s3;
	[dreg:$0x6] =	wrdreg s0  }
0xe: {  	s3 =	sadd.s32 $0x2AA00, s3;
	s19 =	sadd.s32 s13, s5;
	[dreg:$0x7] =	wrdreg s9  }
0xf: {  	s1 =	sadd.s32 s1, s5;
	s23 =	sshll.u32 s22, $0x6;
	[dreg:$0x9] =	wrdreg s3  }
0x10: {  	s5 =	sshll.u32 s22, $0x5;
	s25 =	sshll.u32 s24, $0x6;
	[dreg:$0xa] =	wrdreg s19  }
0x11: {  	s0 =	ssub.s32 s12, s18;
	s18 =	smul.u32 $0x50000, s6;
	[dreg:$0xb] =	wrdreg s1  }
0x12: {  	s3 =	sor.u32 s16, s20;
	s28 =	sor.u32 s16, s25;
	s6 =	sshll.u32 s24, $0x5  }
0x13: {  	s12 =	smov.u32 s10;
	s10 =	sadd.s32 $0x1E0, s10;
	s22 =	sadd.s32 $0x3EA00, s11  }
0x14: {  	s11 =	simm.s32 $0xA;
	s3 =	sshrl.u32 s3, $0x3;
	s13 =	sshll.u32 s10, $0x6  }
0x15: {  	[dreg:$0x12] =	wrdreg s22;
	s0 =	smax.u32 s0, $0x1;
	s22 =	simm.s32 $0x2  }
0x16: {  	s21 =	sadd.s32 s7, s18;
	s5 =	sadd.s32 s18, s5;
	s9 =	sadd.s32 s18, s6  }
0x17: {  	s19 =	sor.u32 s16, s13;
	s20 =	sshrl.u32 s18, $0x3;
	s25 =	sadd.s32 s14, s3  }
0x18: {  	[dreg:$0x15] =	wrdreg s0;
	s1 =	sshrl.u32 s21, $0x3;
	s26 =	sshrl.u32 s5, $0x3  }
0x19: {  	s5 =	sshrl.u32 s28, $0x3;
	s24 =	sadd.s32 s15, s20;
	[dreg:$0x14] =	wrdreg s25  }
0x1a: {  	s28 =	sor.u32 $0x1C0A, s30;
	s17 =	sadd.s32 s15, s1;
	s1 =	sor.u32 s16, s23  }
0x1b: {  	s23 =	sadd.s32 s8, s3;
	[dreg:$0x17] =	wrdreg s28;
	s1 =	sshrl.u32 s1, $0x3  }
0x1c: {  	s20 =	simm.s32 $0xA000;
	[dreg:$0x13] =	wrdreg s23;
	s1 =	sadd.s32 s8, s1  }
0x1d: {  	s3 =	simm.s32 $0x6;
	[dreg:$0xc] =	wrdreg s1;
	s1 =	sadd.s32 s15, s26  }
0x1e: {  	s23 =	simm.s32 $0x3;
	s26 =	sadd.s32 s7, s2;
	[dreg:$0xd] =	wrdreg s1  }
0x1f: {  	s1 =	sadd.s32 s8, s5;
	s5 =	sshll.u32 s10, $0x5;
	s10 =	smov.u32 s15  }
0x20: {  	s0 =	sshrl.u32 s26, $0x3;
	[dreg:$0xe] =	wrdreg s1;
	s1 =	sshrl.u32 s9, $0x3  }
0x21: {  	s5 =	sadd.s32 s18, s5;
	s9 =	smov.u32 s18;
	[dreg:$0x16] =	wrdreg s0  }
0x22: {  	s0 =	simm.s32 $0x5;
	s18 =	simm.s32 $0x9;
	s1 =	sadd.s32 s15, s1  }
0x23: {  	s5 =	sshrl.u32 s5, $0x3;
	[dreg:$0xf] =	wrdreg s1;
	s1 =	sshrl.u32 s19, $0x3  }
0x24: {  	s21 =	sadd.s32 s15, s5;
	s19 =	simm.s32 $0x200;
	s5 =	simm.s32 $0x0  }
0x25: {  	s1 =	sadd.s32 s8, s1;
	[dreg:$0x11] =	wrdreg s21;
	s8 =	smov.u32 s7  }
0x26: {  	s21 =	simm.s32 $0xE000;
	[dreg:$0x10] =	wrdreg s1;
	s1 =	simm.s32 $0x7  }
.LBB2_1:
0x27: {  	[dreg:$0x18] =	wrdreg s5  }
0x28: {  	s26 =	rddreg [dreg:$0x7]  }
0x29: {  	s28 =	rddreg [dreg:$0x9]  }
0x2a: {  	s4 =	simm.s32 $0x0;
	s13 =	rddreg [dreg:$0x16]  }
0x2b: {  	[tilespmem:s4], [sflag:$0x1] =	stream.linear.gather [hbm4b:s26+s4], $0x5000, $0x38;
	[tilespmem:$0x1FC00] =	vst v63  }
0x2c: {  	s6 =	simm.s32 $0x5000;
	s7 =	rddreg [dreg:$0x17]  }
0x2d: {  	[tilespmem:s6], [sflag:$0x1] =	stream.linear.gather [hbm4b:s28+s4], $0x5000, $0x38;
	[tilespmem:$0x1FC00] =	vst v63  }
0x2e: {  	s6 =	rddreg [dreg:$0xa]  }
0x2f: {  	[spmem:s13], [sflag:s7] =	dma.local [hbm:s6], $0xA00  }
0x30: {  	_ =	swait.ge [sflag:s11], $0xA00  }
0x31: {  	[sflag:s11] =	ssyncset.done $0x0  }
0x32: {  	s15 =	simm.s32 $0x12000;
	s14 =	rddreg [dreg:$0xb];
	[sflag:s11] =	ssyncadd.s32 $0xFFFFF600  }
0x33: {  	[tilespmem:s15], [sflag:$0xA] =	stream.linear.gather [hbm4b:s14+s4], $0x5000, $0x38;
	[tilespmem:$0x1FC00] =	vst v63  }
0x34: {  	_ =	swait.ge [sflag:s11], $0x5000  }
0x35: {  	s6 =	simm.s32 $0x20;
	s7 =	simm.s32 $0x40;
	[sflag:s11] =	ssyncset.done $0x0  }
0x36: {  	s13 =	simm.s32 $0x17000;
	s25 =	rddreg [dreg:$0x13];
	[sflag:s11] =	ssyncadd.s32 $0xFFFFB000  }
0x37: {  	[tilespmem:s13], [sflag:$0xA] =	stream.strided.gather [hbm4b:s25+s6], $0x1400, s7, s6, $0x38;
	[tilespmem:$0x1FC00] =	vst v63  }
0x38: {  	_ =	swait.ge [sflag:s11], $0x1400  }
0x39: {  	[sflag:s11] =	ssyncset.done $0x0  }
0x3a: {  	[sflag:s11] =	ssyncadd.s32 $0xFFFFEC00  }
0x3b: {  	[hbm4b:s17+s4] =	stream.linear.scatter [tilespmem:s13], [sflag:$0xA], $0x1400, $0x38;
	[tilespmem:$0x1FC00] =	vst v63  }
0x3c: {  	_ =	swait.ge [sflag:s11], $0x1400  }
0x3d: {  	[sflag:s11] =	ssyncset.done $0x0  }
0x3e: {  	s26 =	rddreg [dreg:$0xc];
	[sflag:s11] =	ssyncadd.s32 $0xFFFFEC00  }
0x3f: {  	[tilespmem:s13], [sflag:$0xA] =	stream.strided.gather [hbm4b:s26+s6], $0x1400, s7, s6, $0x38;
	[tilespmem:$0x1FC00] =	vst v63  }
0x40: {  	_ =	swait.ge [sflag:s11], $0x1400  }
0x41: {  	[sflag:s11] =	ssyncset.done $0x0  }
0x42: {  	s28 =	rddreg [dreg:$0xd];
	[sflag:s11] =	ssyncadd.s32 $0xFFFFEC00  }
0x43: {  	[hbm4b:s28+s4] =	stream.linear.scatter [tilespmem:s13], [sflag:$0xA], $0x1400, $0x38;
	[tilespmem:$0x1FC00] =	vst v63  }
0x44: {  	_ =	swait.ge [sflag:s11], $0x1400  }
0x45: {  	[sflag:s11] =	ssyncset.done $0x0  }
0x46: {  	s14 =	rddreg [dreg:$0xe];
	[sflag:s11] =	ssyncadd.s32 $0xFFFFEC00  }
0x47: {  	[tilespmem:s13], [sflag:$0xA] =	stream.strided.gather [hbm4b:s14+s6], $0x1400, s7, s6, $0x38;
	[tilespmem:$0x1FC00] =	vst v63  }
0x48: {  	_ =	swait.ge [sflag:s11], $0x1400  }
0x49: {  	[sflag:s11] =	ssyncset.done $0x0  }
0x4a: {  	s15 =	rddreg [dreg:$0xf];
	[sflag:s11] =	ssyncadd.s32 $0xFFFFEC00  }
0x4b: {  	[hbm4b:s15+s4] =	stream.linear.scatter [tilespmem:s13], [sflag:$0xA], $0x1400, $0x38;
	[tilespmem:$0x1FC00] =	vst v63  }
0x4c: {  	_ =	swait.ge [sflag:s11], $0x1400  }
0x4d: {  	[sflag:s11] =	ssyncset.done $0x0  }
0x4e: {  	s25 =	rddreg [dreg:$0x10];
	[sflag:s11] =	ssyncadd.s32 $0xFFFFEC00  }
0x4f: {  	[tilespmem:s13], [sflag:$0xA] =	stream.strided.gather [hbm4b:s25+s6], $0x1400, s7, s6, $0x38;
	[tilespmem:$0x1FC00] =	vst v63  }
0x50: {  	_ =	swait.ge [sflag:s11], $0x1400  }
0x51: {  	[sflag:s11] =	ssyncset.done $0x0  }
0x52: {  	s26 =	rddreg [dreg:$0x11];
	[sflag:s11] =	ssyncadd.s32 $0xFFFFEC00  }
0x53: {  	[hbm4b:s26+s4] =	stream.linear.scatter [tilespmem:s13], [sflag:$0xA], $0x1400, $0x38;
	[tilespmem:$0x1FC00] =	vst v63  }
0x54: {  	_ =	swait.ge [sflag:s11], $0x1400  }
0x55: {  	[sflag:s11] =	ssyncset.done $0x0  }
0x56: {  	s28 =	simm.s32 $0x1;
	[sflag:s11] =	ssyncadd.s32 $0xFFFFEC00  }
0x57: {  	_ =	swait.ge [sflag:s28], $0x5000  }
0x58: {  	[sflag:s28] =	ssyncset.done $0x0  }
0x59: {  	[sflag:s28] =	ssyncadd.s32 $0xFFFFB000  }
0x5a: {  	_ =	swait.ge [sflag:s28], $0x5000  }
0x5b: {  	[sflag:s28] =	ssyncset.done $0x0  }
0x5c: {  	[sflag:s28] =	ssyncadd.s32 $0xFFFFB000  }
0x5d: {  	s7 =	simm.s32 $0x0;
	[bflag:$0x0] =	sbarrier.arrive $0xFFFF  }
.LBB2_2:
0x5e: {  	s4 =	simm.s32 $0x0  }
0x5f: {  	[tilespmem:s20], [sflag:$0x2] =	stream.indirect.gather [hbm4b:s24+s19], $0x20, s4, s19, $0xb8;
	[tilespmem:$0x1FC00] =	vst v63  }
0x60: {  	_ = 	snop  }
0x61: {  	[tilespmem:s21], [sflag:$0x3] =	stream.indirect.gather [hbm4b:s24+s19], $0x20, s19, s19, $0xb8;
	[tilespmem:$0x1FC00] =	vst v63  }
0x62: {  	_ =	swait.ge [sflag:s22], $0x4000  }
0x63: {  	[sflag:s22] =	ssyncset.done $0x0  }
0x64: {  	s15 =	simm.s32 $0x5000;
	[sflag:s22] =	ssyncadd.s32 $0xFFFFC000  }
0x65: {  	[spmem:s2] =	stream.indirect.scatter.add.f32 [tilespmem:s20], [sflag:$0x4], $0x20, s15, s19, $0xb8;
	[tilespmem:$0x1FC00] =	vst v63  }
0x66: {  	_ =	swait.ge [sflag:s23], $0x4000  }
0x67: {  	[sflag:s23] =	ssyncset.done $0x0  }
0x68: {  	s25 =	simm.s32 $0x5200;
	[sflag:s23] =	ssyncadd.s32 $0xFFFFC000  }
0x69: {  	[spmem:s2] =	stream.indirect.scatter.add.f32 [tilespmem:s21], [sflag:$0x5], $0x20, s25, s19, $0xb8;
	[tilespmem:$0x1FC00] =	vst v63  }
0x6a: {  	_ =	swait.ge [sflag:s31], $0x4000  }
0x6b: {  	[sflag:s31] =	ssyncset.done $0x0  }
0x6c: {  	s5 =	simm.s32 $0x400;
	[sflag:s31] =	ssyncadd.s32 $0xFFFFC000  }
0x6d: {  	[tilespmem:s20], [sflag:$0x2] =	stream.indirect.gather [hbm4b:s24+s19], $0x20, s5, s19, $0xb8;
	[tilespmem:$0x1FC00] =	vst v63  }
0x6e: {  	_ =	swait.ge [sflag:s0], $0x4000  }
0x6f: {  	[sflag:s0] =	ssyncset.done $0x0  }
0x70: {  	s26 =	simm.s32 $0x600;
	[sflag:s0] =	ssyncadd.s32 $0xFFFFC000  }
0x71: {  	[tilespmem:s21], [sflag:$0x3] =	stream.indirect.gather [hbm4b:s24+s19], $0x20, s26, s19, $0xb8;
	[tilespmem:$0x1FC00] =	vst v63  }
0x72: {  	_ =	swait.ge [sflag:s22], $0x4000  }
0x73: {  	[sflag:s22] =	ssyncset.done $0x0  }
0x74: {  	s28 =	simm.s32 $0x5400;
	[sflag:s22] =	ssyncadd.s32 $0xFFFFC000  }
0x75: {  	[spmem:s2] =	stream.indirect.scatter.add.f32 [tilespmem:s20], [sflag:$0x4], $0x20, s28, s19, $0xb8;
	[tilespmem:$0x1FC00] =	vst v63  }
0x76: {  	_ =	swait.ge [sflag:s23], $0x4000  }
0x77: {  	[sflag:s23] =	ssyncset.done $0x0  }
0x78: {  	s6 =	simm.s32 $0x5600;
	s5 =	simm.s32 $0xFFFEE000;
	[sflag:s23] =	ssyncadd.s32 $0xFFFFC000  }
.LBB2_3:
0x79: {  	[spmem:s2] =	stream.indirect.scatter.add.f32 [tilespmem:s21], [sflag:$0x5], $0x20, s6, s19, $0xb8;
	[tilespmem:$0x1FC00] =	vst v63  }
0x7a: {  	s6 =	smov.u32 s5  }
0x7b: {  	p0 =	sne.s32 s5, $0xFFFFF000;
	s5 =	sadd.s32 $0x1000, s5;
	_ =	swait.ge [sflag:s31], $0x4000  }
0x7c: {  	s6 =	sshra.s32 s6, $0x2;
	[sflag:s31] =	ssyncset.done $0x0  }
0x7d: {  	s13 =	sadd.s32 $0x5000, s6;
	[sflag:s31] =	ssyncadd.s32 $0xFFFFC000  }
0x7e: {  	[tilespmem:s20], [sflag:$0x2] =	stream.indirect.gather [hbm4b:s24+s19], $0x20, s13, s19, $0xb8;
	[tilespmem:$0x1FC00] =	vst v63  }
0x7f: {  	_ =	swait.ge [sflag:s0], $0x4000  }
0x80: {  	[sflag:s0] =	ssyncset.done $0x0  }
0x81: {  	s13 =	sadd.s32 $0x5200, s6;
	[sflag:s0] =	ssyncadd.s32 $0xFFFFC000  }
0x82: {  	[tilespmem:s21], [sflag:$0x3] =	stream.indirect.gather [hbm4b:s24+s19], $0x20, s13, s19, $0xb8;
	[tilespmem:$0x1FC00] =	vst v63  }
0x83: {  	_ =	swait.ge [sflag:s22], $0x4000  }
0x84: {  	[sflag:s22] =	ssyncset.done $0x0  }
.Ltmp0:
0x85: {  	s13 =	sadd.s32 $0xA000, s6;
	[sflag:s22] =	ssyncadd.s32 $0xFFFFC000;
	(pc) =	sbr.rel @p0 .LBB2_3-.Ltmp0, $4  }
0x86: {  	[spmem:s2] =	stream.indirect.scatter.add.f32 [tilespmem:s20], [sflag:$0x4], $0x20, s13, s19, $0xb8;
	[tilespmem:$0x1FC00] =	vst v63  }
0x87: {  	_ =	swait.ge [sflag:s23], $0x4000  }
0x88: {  	[sflag:s23] =	ssyncset.done $0x0  }
0x89: {  	s6 =	sadd.s32 $0xA200, s6;
	[sflag:s23] =	ssyncadd.s32 $0xFFFFC000  }
0x8a: {  	[spmem:s2] =	stream.indirect.scatter.add.f32 [tilespmem:s21], [sflag:$0x5], $0x20, s6, s19, $0xb8;
	[tilespmem:$0x1FC00] =	vst v63  }
0x8b: {  	p0 =	seq.s32 s7, $0x9  }
0x8c: {  	s4 =	rddreg [dreg:$0x12];
	s5 =	simm.s32 @p0 $0x0;
	s6 =	simm.s32 @p0 $0x12000  }
0x8d: {  	[tilespmem:s6], [sflag:$0xA] =	stream.linear.gather @p0 [hbm4b:s4+s5], $0x5000, $0x38;
	[tilespmem:$0x1FC00] =	vst v63  }
0x8e: {  	[dreg:$0x19] =	wrdreg s7;
	s6 =	simm.s32 @p0 $0xA  }
0x8f: {  	_ =	swait.ge @p0 [sflag:s6], $0x5000  }
0x90: {  	[sflag:s6] =	ssyncset.done @p0 $0x0  }
0x91: {  	[sflag:s6] =	ssyncadd.s32 @p0 $0xFFFFB000;
	s6 =	simm.s32 @p0 $0x17000  }
0x92: {  	[tilespmem:s6], [sflag:$0x6] =	stream.linear.gather @p0 [hbm4b:s17+s5], $0x1400, $0x38;
	[tilespmem:$0x1FC00] =	vst v63  }
0x93: {  	s4 =	rddreg [dreg:$0x14];
	s5 =	simm.s32 @!p0 $0x0;
	s6 =	simm.s32 @!p0 $0x17000  }
0x94: {  	[tilespmem:s6], [sflag:$0x6] =	stream.linear.gather @!p0 [hbm4b:s17+s5], $0x1400, $0x38;
	[tilespmem:$0x1FC00] =	vst v63  }
0x95: {  	s25 =	simm.s32 $0x20;
	s5 =	rddreg [dreg:$0x13]  }
0x96: {  	s26 =	simm.s32 $0x40;
	s28 =	simm.s32 $0x19800;
	s5 =	smov.u32 @p0 s4  }
0x97: {  	[tilespmem:s28], [sflag:$0x8] =	stream.strided.gather [hbm4b:s5+s25], $0x1400, s26, s25, $0x38;
	[tilespmem:$0x1FC00] =	vst v63  }
0x98: {  	_ =	swait.ge [sflag:s31], $0x4000  }
0x99: {  	[sflag:s31] =	ssyncset.done $0x0  }
0x9a: {  	[sflag:s31] =	ssyncadd.s32 $0xFFFFC000  }
0x9b: {  	_ =	swait.ge [sflag:s0], $0x4000  }
0x9c: {  	s5 =	rddreg [dreg:$0x4];
	[sflag:s0] =	ssyncset.done $0x0  }
0x9d: {  	s14 =	simm.s32 $0x12000;
	s4 =	rddreg [dreg:$0x5];
	[sflag:s0] =	ssyncadd.s32 $0xFFFFC000  }
0x9e: {  	s6 =	simm.s32 $0x0;
	s5 =	smov.u32 @p0 s4;
	[bflag:$0x0] =	sbarrier.arrive $0xFFFF  }
.LBB2_5:
0x9f: {  	s13 =	smul.u32 $0xA0, s6;
	_ =	sdelay $0x1  }
0xa0: {  	p1 =	seq.s32 s6, $0x0;
	s28 =	sadd.s32 s12, s13  }
0xa1: {  	s13 =	sshll.u32 @!p1 s28, $0x5  }
0xa2: {  	s15 =	sadd.s32 @!p1 s9, s13  }
0xa3: {  	s15 =	sshrl.u32 @!p1 s15, $0x3  }
0xa4: {  	s26 =	simm.s32 @!p1 $0x17000;
	s25 =	sadd.s32 @!p1 s10, s15;
	s15 =	simm.s32 @!p1 $0x0  }
0xa5: {  	[tilespmem:s26], [sflag:$0x6] =	stream.linear.gather @!p1 [hbm4b:s25+s15], $0x1400, $0x38;
	[tilespmem:$0x1FC00] =	vst v63  }
0xa6: {  	s15 =	sshll.u32 @!p1 s28, $0x6  }
0xa7: {  	s15 =	sor.u32 @!p1 s16, s15  }
0xa8: {  	s4 =	simm.s32 @!p1 $0x40;
	s7 =	simm.s32 @!p1 $0x19800;
	s15 =	sshrl.u32 @!p1 s15, $0x3  }
0xa9: {  	s13 =	smov.u32 @p1 s8;
	s26 =	simm.s32 @!p1 $0x20;
	s15 =	sadd.s32 @!p1 s5, s15  }
0xaa: {  	[tilespmem:s7], [sflag:$0x8] =	stream.strided.gather @!p1 [hbm4b:s15+s26], $0x1400, s4, s26, $0x38;
	[tilespmem:$0x1FC00] =	vst v63  }
0xab: {  	s4 =	sadd.s32 s13, s2;
	s26 =	simm.s32 $0x18400  }
0xac: {  	[tilespmem:s26], [sflag:$0x7] =	stream.linear.gather [spmem:s4], $0x1400, $0x38;
	[tilespmem:$0x1FC00] =	vst v63  }
0xad: {  	_ =	swait.ge [sflag:s3], $0x1400  }
0xae: {  	[sflag:s3] =	ssyncset.done $0x0  }
0xaf: {  	[sflag:s3] =	ssyncadd.s32 $0xFFFFEC00  }
0xb0: {  	s13 =	sshll.u32 s28, $0x2;
	_ =	swait.ge [sflag:s1], $0x1400  }
0xb1: {  	s26 =	sor.u32 $0x1C09, s30;
	[sflag:s1] =	ssyncset.done $0x0;
	s15 =	rddreg [dreg:$0x8]  }
0xb2: {  	s4 =	sshrl.u32 s4, $0x3;
	[sflag:s1] =	ssyncadd.s32 $0xFFFFEC00;
	s7 =	sadd.s32 s15, s13  }
0xb3: {  	[spmem:s4], [sflag:s26] =	dma.local [hbm:s7], $0x280  }
0xb4: {  	v0 =	vmov s14;
	_ =	swait.ge [sflag:s29], $0x1400  }
0xb5: {  	[sflag:s29] =	ssyncset.done $0x0  }
0xb6: {  	s26 =	simm.s32 $0x0;
	[sflag:s29] =	ssyncadd.s32 $0xFFFFEC00  }
0xb7: {  	v1 =	vld [tilespmem:s26+$0x18400]  }
0xb8: {  	v2 =	vld [tilespmem:s26+$0x17000]  }
0xb9: {  	v3 =	vld.idx.msk [tilespmem:v0+s26+$0x0 ss:$0x1], $0xffff  }
0xba: {  	v4 =	vld [tilespmem:s26+$0x19800];
	_ =	sdelay $0x2  }
0xbb: {  	v1 =	vadd.f32 v1, v2;
	_ =	sdelay $0x1  }
0xbc: {  	v2 =	vmul.f32 $1.000000010e-01, v4;
	v1 =	vmul.f32 v1, v3;
	_ =	sdelay $0x1  }
0xbd: {  	v1 =	vadd.f32 v2, v1  }
0xbe: {  	v2 =	vld [tilespmem:s26+$0x18410]  }
0xbf: {  	[tilespmem:s26+$0x17000] =	vst v1;
	v1 =	vld [tilespmem:s26+$0x17010]  }
0xc0: {  	v63 =	vld [tilespmem:s26+$0x19810]  }
0xc1: {  	v3 =	vld.idx.msk [tilespmem:v0+s26+$0x10 ss:$0x1], $0xffff;
	_ =	sdelay $0x2  }
0xc2: {  	v1 =	vadd.f32 v2, v1;
	_ =	sdelay $0x1  }
0xc3: {  	v2 =	vmul.f32 $1.000000010e-01, v63;
	v1 =	vmul.f32 v1, v3;
	_ =	sdelay $0x1  }
0xc4: {  	s15 =	simm.s32 $0x20;
	v2 =	vadd.f32 v2, v1  }
0xc5: {  	s25 =	smov.u32 @p1 s17;
	s13 =	simm.s32 $0x100;
	v1 =	vld [tilespmem:s15+$0x18400]  }
.LBB2_6:
0xc6: {  	p1 =	sne.s32 s13, $0x4F80;
	v3 =	vld [tilespmem:s15+$0x17000];
	[tilespmem:s26+$0x17010] =	vst v2;
	s26 =	smov.u32 s15  }
0xc7: {  	v2 =	vld.idx.msk [tilespmem:v0+s26+$0x0 ss:$0x1], $0xffff  }
0xc8: {  	v4 =	vld [tilespmem:s26+$0x19800];
	_ =	sdelay $0x2  }
0xc9: {  	v1 =	vadd.f32 v1, v3;
	_ =	sdelay $0x1  }
0xca: {  	v1 =	vmul.f32 v1, v2;
	v2 =	vmul.f32 $1.000000010e-01, v4;
	_ =	sdelay $0x1  }
0xcb: {  	v1 =	vadd.f32 v2, v1  }
0xcc: {  	v2 =	vld [tilespmem:s26+$0x18410]  }
0xcd: {  	[tilespmem:s26+$0x17000] =	vst v1;
	v1 =	vld [tilespmem:s26+$0x17010]  }
0xce: {  	v3 =	vld.idx.msk [tilespmem:v0+s26+$0x10 ss:$0x1], $0xffff  }
0xcf: {  	v4 =	vld [tilespmem:s26+$0x19810];
	_ =	sdelay $0x2  }
0xd0: {  	v1 =	vadd.f32 v2, v1  }
.Ltmp1:
0xd1: {  	(pc) =	sbr.rel @p1 .LBB2_6-.Ltmp1, $3  }
0xd2: {  	v1 =	vmul.f32 v1, v3;
	v2 =	vmul.f32 $1.000000010e-01, v4;
	_ =	sdelay $0x1  }
0xd3: {  	s15 =	sshra.s32 s13, $0x2;
	v2 =	vadd.f32 v2, v1  }
0xd4: {  	s13 =	sadd.s32 $0x80, s13;
	v1 =	vld [tilespmem:s15+$0x18400]  }
0xd5: {  	_ =	sdelay $0x2  }
0xd6: {  	v3 =	vld [tilespmem:s15+$0x17000];
	[tilespmem:s26+$0x17010] =	vst v2  }
0xd7: {  	v2 =	vld.idx.msk [tilespmem:v0+s15+$0x0 ss:$0x1], $0xffff  }
0xd8: {  	v4 =	vld [tilespmem:s15+$0x19800];
	_ =	sdelay $0x2  }
0xd9: {  	v1 =	vadd.f32 v1, v3;
	_ =	sdelay $0x1  }
0xda: {  	v58 =	vmul.f32 $1.000000010e-01, v4;
	v1 =	vmul.f32 v1, v2;
	_ =	sdelay $0x1  }
0xdb: {  	v59 =	vld [tilespmem:s15+$0x18410];
	v1 =	vadd.f32 v58, v1  }
0xdc: {  	v60 =	vld [tilespmem:s15+$0x17010]  }
0xdd: {  	v62 =	vld [tilespmem:s15+$0x19810];
	[tilespmem:s15+$0x17000] =	vst v1  }
0xde: {  	v61 =	vld.idx.msk [tilespmem:v0+s15+$0x10 ss:$0x1], $0xffff;
	_ =	sdelay $0x2  }
0xdf: {  	v1 =	vadd.f32 v59, v60;
	_ =	sdelay $0x1  }
0xe0: {  	v63 =	vmul.f32 $1.000000010e-01, v62;
	v0 =	vmul.f32 v1, v61  }
0xe1: {  	s4 =	sshll.u32 @p0 s28, $0x6  }
0xe2: {  	s4 =	sor.u32 @p0 s16, s4;
	v0 =	vadd.f32 v63, v0  }
0xe3: {  	s7 =	rddreg [dreg:$0x6];
	s13 =	simm.s32 @p0 $0x40;
	s4 =	sshrl.u32 @p0 s4, $0x3  }
0xe4: {  	s4 =	sadd.s32 @p0 s7, s4;
	s7 =	simm.s32 @p0 $0x20;
	[tilespmem:s15+$0x17010] =	vst v0;
	s15 =	simm.s32 @p0 $0x17000  }
0xe5: {  	[hbm4b:s4+s7] =	stream.strided.scatter @p0 [tilespmem:s15], [sflag:$0xA], $0x1400, s13, s7, $0x38;
	[tilespmem:$0x1FC00] =	vst v63  }
0xe6: {  	s6 =	sadd.s32 $0x1, s6;
	s4 =	simm.s32 @!p0 $0x0;
	s7 =	simm.s32 @!p0 $0x17000  }
0xe7: {  	[hbm4b:s25+s4] =	stream.linear.scatter @!p0 [tilespmem:s7], [sflag:$0xA], $0x1400, $0x38;
	[tilespmem:$0x1FC00] =	vst v63  }
0xe8: {  	p1 =	sne.s32 s6, $0x4;
	_ =	swait.ge [sflag:s11], $0x1400  }
.Ltmp2:
0xe9: {  	[sflag:s11] =	ssyncset.done $0x0;
	(pc) =	sbr.rel @p1 .LBB2_5-.Ltmp2, $4  }
0xea: {  	[sflag:s11] =	ssyncadd.s32 $0xFFFFEC00  }
0xeb: {  	_ =	swait.ge [sflag:s18], $0x280  }
0xec: {  	[sflag:s18] =	ssyncset.done $0x0  }
0xed: {  	s14 =	sadd.s32 $0x1400, s14;
	[sflag:s18] =	ssyncadd.s32 $0xFFFFFD80  }
0xee: {  	s7 =	rddreg [dreg:$0x19]  }
0xef: {  	s7 =	sadd.s32 $0x1, s7  }
0xf0: {  	p0 =	sne.s32 s7, $0xA  }
.Ltmp3:
0xf1: {  	_ = 	snop;
	(pc) =	sbr.rel @p0 .LBB2_2-.Ltmp3, $2  }
0xf2: {  	_ =	sdelay $0x1  }
0xf3: {  	[bflag:$0x0] =	sbarrier.arrive $0xFFFF;
	_ =	sdelay $0x1  }
0xf4: {  	s5 =	rddreg [dreg:$0x18]  }
0xf5: {  	s4 =	rddreg [dreg:$0x15];
	s5 =	sadd.s32 $0x1, s5  }
0xf6: {  	p0 =	sne.s32 s5, s4  }
.Ltmp4:
0xf7: {  	_ = 	snop;
	(pc) =	sbr.rel @p0 .LBB2_1-.Ltmp4, $1  }
0xf8: {  	_ =	sdelay $0x3  }
0xf9: {  	_ =	sfence.sel $0x180000  }
0xfa: {  	[bflag:$0x0] =	sbarrier.arrive $0xFFFF  }
0xfb: {  	_ =	strace $0x9000004A  }
0xfc: {  	s0 =	stileid.u32;
	[bflag:$0x2] =	sbarrier.arrive $0xFFFF  }
0xfd: {  	p0 =	sne.s32 s0, $0x0;
	s0 =	rddreg [dreg:$0x3]  }
0xfe: {  	s0 =	sadd.s32 @!p0 $0x100000, s0  }
0xff: {  	[sflag:s0] =	ssyncadd.tile.s32 @!p0 $0x1;
	_ =	shalt  }
.Lfunc_end2:
_tile_overlayer_lowered:
.L_overlay_start_2:
0x100: {  	(tag) =	ssettag $0x2  }
0x101: {  	s0 =	rddreg [dreg:$0x0];
	s2 =	stileid.u32  }
0x102: {  	s1 =	rddreg [dreg:$0x1];
	p0 =	sne.s32 s2, $0x0  }
0x103: {  	s3 =	rddreg [dreg:$0x2];
	[bflag:$0x3] =	sbarrier.arrive $0xFFFF;
	s2 =	simm.s32 @!p0 $0x1C0A  }
0x104: {  	[timem:s3], [sflag:s2] =	dma.local @!p0 [hbm:s0], s1  }
0x105: {  	s0 =	simm.s32 @!p0 $0xA  }
0x106: {  	_ =	swait.ge @!p0 [sflag:s0], s1  }
0x107: {  	s1 =	ssub.s32 @!p0 $0x0, s1;
	[sflag:s0] =	ssyncset.done @!p0 $0x0  }
0x108: {  	[sflag:s0] =	ssyncadd.s32 @!p0 s1  }
0x109: {  	[bflag:$0x3] =	sbarrier.arrive $0xFFFF  }
0x10a: {  	_ =	shalt  }

</sc_bundles>
